<compile_context>
chip_gen: v7x
topology: tpu7x:2x2x1
jax: 0.10.2.dev20260603
libtpu: 0.0.44.dev20260713+nightly
codegen_flags: <defaults>
</compile_context>

<pallas_src>
import functools

import jax
import jax.numpy as jnp
from jax import lax
from jax.experimental import pallas as pl
from jax.experimental.pallas import tpu as pltpu
from jax.experimental.pallas import tpu_sc as plsc

_NUM_EMB = 10
_EMB_DIM = 3
_ROWS = 50
_COLS = 16384
_NW = 32
_W = _COLS // _NW
_NVEC = _W // 16
_CHUNKS = [(0, 24), (24, 24), (48, 2)]


@functools.partial(
    pl.kernel,
    out_type=jax.ShapeDtypeStruct((_EMB_DIM, _ROWS, _COLS), jnp.float32),
    mesh=plsc.VectorSubcoreMesh(core_axis_name="c", subcore_axis_name="s"),
    compiler_params=pltpu.CompilerParams(needs_layout_passes=False),
    scratch_types=[
        pltpu.VMEM((_EMB_DIM, _NUM_EMB), jnp.float32),
        pltpu.VMEM((_ROWS, _W), jnp.int32),
        pltpu.VMEM((_EMB_DIM, _ROWS, _W), jnp.float32),
        [pltpu.SemaphoreType.DMA] * len(_CHUNKS),
        pltpu.SemaphoreType.DMA,
    ],
)
def _sc_gather(tbl_hbm, idx_hbm, out_hbm, tbl_v, idx_v, out_v, in_sems, sem_o):
    nc = 2
    wid = lax.axis_index("s") * nc + lax.axis_index("c")
    c0 = wid * _W

    in_cps = [
        pltpu.async_copy(
            idx_hbm.at[pl.ds(r0, nr), pl.ds(c0, _W)],
            idx_v.at[pl.ds(r0, nr)], in_sems[i])
        for i, (r0, nr) in enumerate(_CHUNKS)
    ]

    pltpu.sync_copy(tbl_hbm, tbl_v)
    lane = lax.iota(jnp.int32, 16)
    row = jnp.minimum(lane, _NUM_EMB - 1)
    tvals = [
        plsc.load_gather(tbl_v, [jnp.full((16,), d, jnp.int32), row])
        for d in range(_EMB_DIM)
    ]

    out_cps = []
    for i, (r0, nr) in enumerate(_CHUNKS):
        in_cps[i].wait()

        def body(j, r0=r0):
            r = r0 + j // _NVEC
            k = (j % _NVEC) * 16
            c = idx_v[r, pl.ds(k, 16)] & 15
            for d in range(_EMB_DIM):
                out_v[d, r, pl.ds(k, 16)] = jnp.take_along_axis(
                    tvals[d], c, axis=0)

        plsc.parallel_loop(0, nr * _NVEC, unroll=4)(body)
        for d in range(_EMB_DIM):
            out_cps.append(pltpu.async_copy(
                out_v.at[d, pl.ds(r0, nr)],
                out_hbm.at[d, pl.ds(r0, nr), pl.ds(c0, _W)], sem_o))

    for cp in out_cps:
        cp.wait()


def kernel(arg, table):
    out = _sc_gather(table.T, arg.T)
    return out.transpose(2, 1, 0)

# --- scband reference (transcript-rebuilt; emitter-appended) ---
"""Pipeline reference for scband-scale-grad-embedding-89721866813591 (READ-ONLY COPY).

The authoritative reference and input builder live on the scoring server;
editing this copy changes nothing except your own understanding.
"""

import jax, jax.numpy as jnp
import numpy as np

NUM_EMB = 10
EMB_DIM = 3


def setup_inputs(seed: int = 0) -> dict:
    key = jax.random.key(seed)
    k1, k2 = jax.random.split(key)
    arg = jax.random.randint(k1, (16384, 50), 0, NUM_EMB, dtype=jnp.int32)
    table = jax.random.normal(k2, (NUM_EMB, EMB_DIM), dtype=jnp.float32)
    return {"arg": arg, "table": table}


def reference(arg, table):
    # torch.nn.Embedding forward: simple row gather from the table.
    # scale_grad_by_freq only affects the backward pass, not forward.
    return jnp.take(table, arg, axis=0)

if __name__ == "__main__":
    import jax
    _d = setup_inputs()
    print(jax.jit(kernel)(*tuple(_d.values())))

</pallas_src>

<mosaic_0001>
#map = affine_map<(d0, d1) -> (0, 0)>
#map1 = affine_map<(d0, d1) -> (0, 0, 0)>
module attributes {stable_mosaic.version = 14 : i64} {
  func.func @_sc_gather(%arg0: i32, %arg1: i32, %arg2: memref<3x10xf32, #tpu.memory_space<hbm>>, %arg3: memref<50x16384xi32, #tpu.memory_space<hbm>>, %arg4: memref<3x50x16384xf32, #tpu.memory_space<hbm>>, %arg5: memref<3x10xf32, #tpu.memory_space<vmem>>, %arg6: memref<50x512xi32, #tpu.memory_space<vmem>>, %arg7: memref<3x50x512xf32, #tpu.memory_space<vmem>>, %arg8: memref<!tpu.dma_semaphore, #tpu.memory_space<semaphore_mem>>, %arg9: memref<!tpu.dma_semaphore, #tpu.memory_space<semaphore_mem>>, %arg10: memref<!tpu.dma_semaphore, #tpu.memory_space<semaphore_mem>>, %arg11: memref<!tpu.dma_semaphore, #tpu.memory_space<semaphore_mem>>) attributes {dimension_semantics = [#tpu.dimension_semantics<core_parallel>, #tpu.dimension_semantics<subcore_parallel>], iteration_bounds = array<i64: 2, 16>, scalar_prefetch = 0 : i64, scratch_operands = 7 : i64, tpu.core_type = #tpu.core_type<sc_vector_subcore>, window_params = [{transform_indices = #map}, {transform_indices = #map}, {transform_indices = #map1}]} {
    %mul3A = arith.constant 2 : i32
    %mul3A_0 = arith.muli %arg1, %mul3A : i32
    %add3A = arith.addi %mul3A_0, %arg0 : i32
    %mul3A_1 = arith.constant 512 : i32
    %mul3A_2 = arith.muli %add3A, %mul3A_1 : i32
    %dma_start3A = arith.constant 0 : i32
    %dma_start3A_3 = arith.constant 0 : i32
    %dma_start3A_4 = tpu.memref_slice %arg6[%dma_start3A, %dma_start3A_3] : memref<50x512xi32, #tpu.memory_space<vmem>> -> memref<24x512xi32, #tpu.memory_space<vmem>>
    %dma_start3A_5 = arith.constant 0 : i32
    %dma_start3A_6 = tpu.memref_slice %arg3[%dma_start3A_5, %mul3A_2] : memref<50x16384xi32, #tpu.memory_space<hbm>> -> memref<24x512xi32, #tpu.memory_space<hbm>>
    %dma_start3A_7 = arith.constant 0 : i32
    %dma_start3A_8 = arith.constant 0 : i32
    %dma_start3A_9 = tpu.memref_slice %arg6[%dma_start3A_7, %dma_start3A_8] : memref<50x512xi32, #tpu.memory_space<vmem>> -> memref<24x512xi32, #tpu.memory_space<vmem>>
    %dma_start3A_10 = arith.constant 0 : i32
    %dma_start3A_11 = tpu.memref_slice %arg3[%dma_start3A_10, %mul3A_2] : memref<50x16384xi32, #tpu.memory_space<hbm>> -> memref<24x512xi32, #tpu.memory_space<hbm>>
    tpu.enqueue_dma source(%dma_start3A_11 : memref<24x512xi32, #tpu.memory_space<hbm>>) target(%dma_start3A_9 : memref<24x512xi32, #tpu.memory_space<vmem>>) target_semaphore(%arg8 : memref<!tpu.dma_semaphore, #tpu.memory_space<semaphore_mem>>)
    %dma_start3A_12 = arith.constant 24 : i32
    %dma_start3A_13 = arith.constant 0 : i32
    %dma_start3A_14 = tpu.memref_slice %arg6[%dma_start3A_12, %dma_start3A_13] : memref<50x512xi32, #tpu.memory_space<vmem>> -> memref<24x512xi32, #tpu.memory_space<vmem>>
    %dma_start3A_15 = arith.constant 24 : i32
    %dma_start3A_16 = tpu.memref_slice %arg3[%dma_start3A_15, %mul3A_2] : memref<50x16384xi32, #tpu.memory_space<hbm>> -> memref<24x512xi32, #tpu.memory_space<hbm>>
    %dma_start3A_17 = arith.constant 24 : i32
    %dma_start3A_18 = arith.constant 0 : i32
    %dma_start3A_19 = tpu.memref_slice %arg6[%dma_start3A_17, %dma_start3A_18] : memref<50x512xi32, #tpu.memory_space<vmem>> -> memref<24x512xi32, #tpu.memory_space<vmem>>
    %dma_start3A_20 = arith.constant 24 : i32
    %dma_start3A_21 = tpu.memref_slice %arg3[%dma_start3A_20, %mul3A_2] : memref<50x16384xi32, #tpu.memory_space<hbm>> -> memref<24x512xi32, #tpu.memory_space<hbm>>
    tpu.enqueue_dma source(%dma_start3A_21 : memref<24x512xi32, #tpu.memory_space<hbm>>) target(%dma_start3A_19 : memref<24x512xi32, #tpu.memory_space<vmem>>) target_semaphore(%arg9 : memref<!tpu.dma_semaphore, #tpu.memory_space<semaphore_mem>>)
    %dma_start3A_22 = arith.constant 48 : i32
    %dma_start3A_23 = arith.constant 0 : i32
    %dma_start3A_24 = tpu.memref_slice %arg6[%dma_start3A_22, %dma_start3A_23] : memref<50x512xi32, #tpu.memory_space<vmem>> -> memref<2x512xi32, #tpu.memory_space<vmem>>
    %dma_start3A_25 = arith.constant 48 : i32
    %dma_start3A_26 = tpu.memref_slice %arg3[%dma_start3A_25, %mul3A_2] : memref<50x16384xi32, #tpu.memory_space<hbm>> -> memref<2x512xi32, #tpu.memory_space<hbm>>
    %dma_start3A_27 = arith.constant 48 : i32
    %dma_start3A_28 = arith.constant 0 : i32
    %dma_start3A_29 = tpu.memref_slice %arg6[%dma_start3A_27, %dma_start3A_28] : memref<50x512xi32, #tpu.memory_space<vmem>> -> memref<2x512xi32, #tpu.memory_space<vmem>>
    %dma_start3A_30 = arith.constant 48 : i32
    %dma_start3A_31 = tpu.memref_slice %arg3[%dma_start3A_30, %mul3A_2] : memref<50x16384xi32, #tpu.memory_space<hbm>> -> memref<2x512xi32, #tpu.memory_space<hbm>>
    tpu.enqueue_dma source(%dma_start3A_31 : memref<2x512xi32, #tpu.memory_space<hbm>>) target(%dma_start3A_29 : memref<2x512xi32, #tpu.memory_space<vmem>>) target_semaphore(%arg10 : memref<!tpu.dma_semaphore, #tpu.memory_space<semaphore_mem>>)
    "tpu.region"() ({
      %run_scoped3A = tpu.sem_alloc : memref<!tpu.dma_semaphore, #tpu.memory_space<semaphore_mem>>
      tpu.enqueue_dma source(%arg2 : memref<3x10xf32, #tpu.memory_space<hbm>>) target(%arg5 : memref<3x10xf32, #tpu.memory_space<vmem>>) target_semaphore(%run_scoped3A : memref<!tpu.dma_semaphore, #tpu.memory_space<semaphore_mem>>)
      tpu.wait_dma2 semaphore(%run_scoped3A : memref<!tpu.dma_semaphore, #tpu.memory_space<semaphore_mem>>) src(%arg2 : memref<3x10xf32, #tpu.memory_space<hbm>>) dst(%arg5 : memref<3x10xf32, #tpu.memory_space<vmem>>)
      tpu.yield
    }) : () -> ()
    %iota3A = tpu.iota {dimensions = array<i32: 0>} : vector<16xi32>
    %min3A = arith.constant 9 : i32
    %min3A_32 = vector.broadcast %min3A : i32 to vector<16xi32>
    %min3A_33 = arith.minsi %iota3A, %min3A_32 : vector<16xi32>
    %broadcast_in_dim3A = arith.constant 0 : i32
    %broadcast_in_dim3A_34 = vector.broadcast %broadcast_in_dim3A : i32 to vector<16xi32>
    %gather3A = tpu.vector_load_idx %arg5[%broadcast_in_dim3A_34, %min3A_33] : memref<3x10xf32, #tpu.memory_space<vmem>>[vector<16xi32>, vector<16xi32>], vector<16xf32>,
    %broadcast_in_dim3A_35 = arith.constant 1 : i32
    %broadcast_in_dim3A_36 = vector.broadcast %broadcast_in_dim3A_35 : i32 to vector<16xi32>
    %gather3A_37 = tpu.vector_load_idx %arg5[%broadcast_in_dim3A_36, %min3A_33] : memref<3x10xf32, #tpu.memory_space<vmem>>[vector<16xi32>, vector<16xi32>], vector<16xf32>,
    %broadcast_in_dim3A_38 = arith.constant 2 : i32
    %broadcast_in_dim3A_39 = vector.broadcast %broadcast_in_dim3A_38 : i32 to vector<16xi32>
    %gather3A_40 = tpu.vector_load_idx %arg5[%broadcast_in_dim3A_39, %min3A_33] : memref<3x10xf32, #tpu.memory_space<vmem>>[vector<16xi32>, vector<16xi32>], vector<16xf32>,
    %dma_wait3A = arith.constant 0 : i32
    %dma_wait3A_41 = arith.constant 0 : i32
    %dma_wait3A_42 = tpu.memref_slice %arg6[%dma_wait3A, %dma_wait3A_41] : memref<50x512xi32, #tpu.memory_space<vmem>> -> memref<24x512xi32, #tpu.memory_space<vmem>>
    %dma_wait3A_43 = arith.constant 0 : i32
    %dma_wait3A_44 = tpu.memref_slice %arg3[%dma_wait3A_43, %mul3A_2] : memref<50x16384xi32, #tpu.memory_space<hbm>> -> memref<24x512xi32, #tpu.memory_space<hbm>>
    %dma_wait3A_45 = arith.constant 0 : i32
    %dma_wait3A_46 = arith.constant 0 : i32
    %dma_wait3A_47 = tpu.memref_slice %arg6[%dma_wait3A_45, %dma_wait3A_46] : memref<50x512xi32, #tpu.memory_space<vmem>> -> memref<24x512xi32, #tpu.memory_space<vmem>>
    %dma_wait3A_48 = arith.constant 0 : i32
    %dma_wait3A_49 = tpu.memref_slice %arg3[%dma_wait3A_48, %mul3A_2] : memref<50x16384xi32, #tpu.memory_space<hbm>> -> memref<24x512xi32, #tpu.memory_space<hbm>>
    tpu.wait_dma2 semaphore(%arg8 : memref<!tpu.dma_semaphore, #tpu.memory_space<semaphore_mem>>) src(%dma_wait3A_49 : memref<24x512xi32, #tpu.memory_space<hbm>>) dst(%dma_wait3A_47 : memref<24x512xi32, #tpu.memory_space<vmem>>)
    %parallel_loop3A = arith.constant 0 : i32
    %parallel_loop3A_50 = arith.constant 768 : i32
    %parallel_loop3A_51 = arith.constant 1 : i32
    scf.for %parallel_loop3A_366 = %parallel_loop3A to %parallel_loop3A_50 step %parallel_loop3A_51  : i32 {
      %parallel_loop3A_367 = arith.constant 32 : i32
      %parallel_loop3A_368 = arith.divsi %parallel_loop3A_366, %parallel_loop3A_367 : i32
      %parallel_loop3A_369 = arith.constant 0 : i32
      %parallel_loop3A_370 = arith.cmpi sgt, %parallel_loop3A_366, %parallel_loop3A_369 : i32
      %parallel_loop3A_371 = arith.extui %parallel_loop3A_370 : i1 to i32
      %parallel_loop3A_372 = arith.constant 0 : i32
      %parallel_loop3A_373 = arith.cmpi slt, %parallel_loop3A_366, %parallel_loop3A_372 : i32
      %parallel_loop3A_374 = arith.extui %parallel_loop3A_373 : i1 to i32
      %parallel_loop3A_375 = arith.subi %parallel_loop3A_371, %parallel_loop3A_374 : i32
      %parallel_loop3A_376 = arith.constant 0 : i32
      %parallel_loop3A_377 = arith.cmpi sgt, %parallel_loop3A_367, %parallel_loop3A_376 : i32
      %parallel_loop3A_378 = arith.extui %parallel_loop3A_377 : i1 to i32
      %parallel_loop3A_379 = arith.constant 0 : i32
      %parallel_loop3A_380 = arith.cmpi slt, %parallel_loop3A_367, %parallel_loop3A_379 : i32
      %parallel_loop3A_381 = arith.extui %parallel_loop3A_380 : i1 to i32
      %parallel_loop3A_382 = arith.subi %parallel_loop3A_378, %parallel_loop3A_381 : i32
      %parallel_loop3A_383 = arith.cmpi ne, %parallel_loop3A_375, %parallel_loop3A_382 : i32
      %parallel_loop3A_384 = arith.remsi %parallel_loop3A_366, %parallel_loop3A_367 : i32
      %parallel_loop3A_385 = arith.constant 0 : i32
      %parallel_loop3A_386 = arith.cmpi ne, %parallel_loop3A_384, %parallel_loop3A_385 : i32
      %parallel_loop3A_387 = arith.andi %parallel_loop3A_383, %parallel_loop3A_386 : i1
      %parallel_loop3A_388 = arith.constant 1 : i32
      %parallel_loop3A_389 = arith.subi %parallel_loop3A_368, %parallel_loop3A_388 : i32
      %parallel_loop3A_390 = arith.select %parallel_loop3A_387, %parallel_loop3A_389, %parallel_loop3A_368 : i32
      %parallel_loop3A_391 = arith.constant 0 : i32
      %parallel_loop3A_392 = arith.addi %parallel_loop3A_391, %parallel_loop3A_390 : i32
      %parallel_loop3A_393 = arith.constant 32 : i32
      %parallel_loop3A_394 = arith.constant 0 : i32
      %parallel_loop3A_395 = arith.cmpi eq, %parallel_loop3A_393, %parallel_loop3A_394 : i32
      %parallel_loop3A_396 = arith.constant 1 : i32
      %parallel_loop3A_397 = arith.select %parallel_loop3A_395, %parallel_loop3A_396, %parallel_loop3A_393 : i32
      %parallel_loop3A_398 = arith.remsi %parallel_loop3A_366, %parallel_loop3A_397 : i32
      %parallel_loop3A_399 = arith.constant 0 : i32
      %parallel_loop3A_400 = arith.cmpi ne, %parallel_loop3A_398, %parallel_loop3A_399 : i32
      %parallel_loop3A_401 = arith.constant 0 : i32
      %parallel_loop3A_402 = arith.cmpi slt, %parallel_loop3A_398, %parallel_loop3A_401 : i32
      %parallel_loop3A_403 = arith.constant 0 : i32
      %parallel_loop3A_404 = arith.cmpi slt, %parallel_loop3A_397, %parallel_loop3A_403 : i32
      %parallel_loop3A_405 = arith.xori %parallel_loop3A_402, %parallel_loop3A_404 : i1
      %parallel_loop3A_406 = arith.andi %parallel_loop3A_405, %parallel_loop3A_400 : i1
      %parallel_loop3A_407 = arith.addi %parallel_loop3A_398, %parallel_loop3A_397 : i32
      %parallel_loop3A_408 = arith.select %parallel_loop3A_406, %parallel_loop3A_407, %parallel_loop3A_398 : i32
      %parallel_loop3A_409 = arith.constant 16 : i32
      %parallel_loop3A_410 = arith.muli %parallel_loop3A_408, %parallel_loop3A_409 : i32
      %parallel_loop3A_411 = arith.index_cast %parallel_loop3A_392 : i32 to index
      %parallel_loop3A_412 = arith.index_cast %parallel_loop3A_410 : i32 to index
      %parallel_loop3A_413 = tpu.vector_load %arg6[%parallel_loop3A_411, %parallel_loop3A_412] {strides = array<i32>} : memref<50x512xi32, #tpu.memory_space<vmem>>, vector<16xi32>,
      %parallel_loop3A_414 = arith.constant 15 : i32
      %parallel_loop3A_415 = vector.broadcast %parallel_loop3A_414 : i32 to vector<16xi32>
      %parallel_loop3A_416 = arith.andi %parallel_loop3A_413, %parallel_loop3A_415 : vector<16xi32>
      %parallel_loop3A_417 = arith.constant 0 : i32
      %parallel_loop3A_418 = vector.broadcast %parallel_loop3A_417 : i32 to vector<16xi32>
      %parallel_loop3A_419 = arith.cmpi slt, %parallel_loop3A_416, %parallel_loop3A_418 : vector<16xi32>
      %parallel_loop3A_420 = arith.constant 16 : i32
      %parallel_loop3A_421 = vector.broadcast %parallel_loop3A_420 : i32 to vector<16xi32>
      %parallel_loop3A_422 = arith.addi %parallel_loop3A_416, %parallel_loop3A_421 : vector<16xi32>
      %parallel_loop3A_423 = arith.select %parallel_loop3A_419, %parallel_loop3A_422, %parallel_loop3A_416 : vector<16xi1>, vector<16xi32>
      %parallel_loop3A_424 = vector.shape_cast %parallel_loop3A_423 : vector<16xi32> to vector<16x1xi32>
      %parallel_loop3A_425 = vector.shape_cast %parallel_loop3A_424 : vector<16x1xi32> to vector<16xi32>
      %parallel_loop3A_426 = tpu.dynamic_gather %gather3A[%parallel_loop3A_425] in [0] : vector<16xf32>, vector<16xi32> -> vector<16xf32>
      %parallel_loop3A_427 = arith.constant 0 : i32
      %parallel_loop3A_428 = arith.index_cast %parallel_loop3A_427 : i32 to index
      %parallel_loop3A_429 = arith.index_cast %parallel_loop3A_392 : i32 to index
      %parallel_loop3A_430 = arith.index_cast %parallel_loop3A_410 : i32 to index
      %parallel_loop3A_431 = tpu.vector_load %arg7[%parallel_loop3A_428, %parallel_loop3A_429, %parallel_loop3A_430] {strides = array<i32>} : memref<3x50x512xf32, #tpu.memory_space<vmem>>, vector<16xf32>,
      tpu.vector_store %arg7[%parallel_loop3A_428, %parallel_loop3A_429, %parallel_loop3A_430], %parallel_loop3A_426 {strides = array<i32>} : memref<3x50x512xf32, #tpu.memory_space<vmem>>, vector<16xf32>,
      %parallel_loop3A_432 = arith.constant 0 : i32
      %parallel_loop3A_433 = vector.broadcast %parallel_loop3A_432 : i32 to vector<16xi32>
      %parallel_loop3A_434 = arith.cmpi slt, %parallel_loop3A_416, %parallel_loop3A_433 : vector<16xi32>
      %parallel_loop3A_435 = arith.constant 16 : i32
      %parallel_loop3A_436 = vector.broadcast %parallel_loop3A_435 : i32 to vector<16xi32>
      %parallel_loop3A_437 = arith.addi %parallel_loop3A_416, %parallel_loop3A_436 : vector<16xi32>
      %parallel_loop3A_438 = arith.select %parallel_loop3A_434, %parallel_loop3A_437, %parallel_loop3A_416 : vector<16xi1>, vector<16xi32>
      %parallel_loop3A_439 = vector.shape_cast %parallel_loop3A_438 : vector<16xi32> to vector<16x1xi32>
      %parallel_loop3A_440 = vector.shape_cast %parallel_loop3A_439 : vector<16x1xi32> to vector<16xi32>
      %parallel_loop3A_441 = tpu.dynamic_gather %gather3A_37[%parallel_loop3A_440] in [0] : vector<16xf32>, vector<16xi32> -> vector<16xf32>
      %parallel_loop3A_442 = arith.constant 1 : i32
      %parallel_loop3A_443 = arith.index_cast %parallel_loop3A_442 : i32 to index
      %parallel_loop3A_444 = arith.index_cast %parallel_loop3A_392 : i32 to index
      %parallel_loop3A_445 = arith.index_cast %parallel_loop3A_410 : i32 to index
      %parallel_loop3A_446 = tpu.vector_load %arg7[%parallel_loop3A_443, %parallel_loop3A_444, %parallel_loop3A_445] {strides = array<i32>} : memref<3x50x512xf32, #tpu.memory_space<vmem>>, vector<16xf32>,
      tpu.vector_store %arg7[%parallel_loop3A_443, %parallel_loop3A_444, %parallel_loop3A_445], %parallel_loop3A_441 {strides = array<i32>} : memref<3x50x512xf32, #tpu.memory_space<vmem>>, vector<16xf32>,
      %parallel_loop3A_447 = arith.constant 0 : i32
      %parallel_loop3A_448 = vector.broadcast %parallel_loop3A_447 : i32 to vector<16xi32>
      %parallel_loop3A_449 = arith.cmpi slt, %parallel_loop3A_416, %parallel_loop3A_448 : vector<16xi32>
      %parallel_loop3A_450 = arith.constant 16 : i32
      %parallel_loop3A_451 = vector.broadcast %parallel_loop3A_450 : i32 to vector<16xi32>
      %parallel_loop3A_452 = arith.addi %parallel_loop3A_416, %parallel_loop3A_451 : vector<16xi32>
      %parallel_loop3A_453 = arith.select %parallel_loop3A_449, %parallel_loop3A_452, %parallel_loop3A_416 : vector<16xi1>, vector<16xi32>
      %parallel_loop3A_454 = vector.shape_cast %parallel_loop3A_453 : vector<16xi32> to vector<16x1xi32>
      %parallel_loop3A_455 = vector.shape_cast %parallel_loop3A_454 : vector<16x1xi32> to vector<16xi32>
      %parallel_loop3A_456 = tpu.dynamic_gather %gather3A_40[%parallel_loop3A_455] in [0] : vector<16xf32>, vector<16xi32> -> vector<16xf32>
      %parallel_loop3A_457 = arith.constant 2 : i32
      %parallel_loop3A_458 = arith.index_cast %parallel_loop3A_457 : i32 to index
      %parallel_loop3A_459 = arith.index_cast %parallel_loop3A_392 : i32 to index
      %parallel_loop3A_460 = arith.index_cast %parallel_loop3A_410 : i32 to index
      %parallel_loop3A_461 = tpu.vector_load %arg7[%parallel_loop3A_458, %parallel_loop3A_459, %parallel_loop3A_460] {strides = array<i32>} : memref<3x50x512xf32, #tpu.memory_space<vmem>>, vector<16xf32>,
      tpu.vector_store %arg7[%parallel_loop3A_458, %parallel_loop3A_459, %parallel_loop3A_460], %parallel_loop3A_456 {strides = array<i32>} : memref<3x50x512xf32, #tpu.memory_space<vmem>>, vector<16xf32>,
    } {sc.loop_unroll_factor = 4 : i64, sc.parallel_access}
    %dma_start3A_52 = arith.constant 0 : i32
    %dma_start3A_53 = arith.constant 0 : i32
    %dma_start3A_54 = arith.constant 0 : i32
    %dma_start3A_55 = arith.constant 0 : i32
    %dma_start3A_56 = tpu.memref_slice %arg7[%dma_start3A_52, %dma_start3A_54, %dma_start3A_55] : memref<3x50x512xf32, #tpu.memory_space<vmem>> -> memref<1x24x512xf32, #tpu.memory_space<vmem>>
    %dma_start3A_57 = tpu.memref_squeeze %dma_start3A_56 : memref<1x24x512xf32, #tpu.memory_space<vmem>> -> memref<24x512xf32, #tpu.memory_space<vmem>>
    %dma_start3A_58 = arith.constant 0 : i32
    %dma_start3A_59 = tpu.memref_slice %arg4[%dma_start3A_53, %dma_start3A_58, %mul3A_2] : memref<3x50x16384xf32, #tpu.memory_space<hbm>> -> memref<1x24x512xf32, #tpu.memory_space<hbm>>
    %dma_start3A_60 = tpu.memref_squeeze %dma_start3A_59 : memref<1x24x512xf32, #tpu.memory_space<hbm>> -> memref<24x512xf32, #tpu.memory_space<hbm>>
    %dma_start3A_61 = arith.constant 0 : i32
    %dma_start3A_62 = tpu.memref_slice %arg4[%dma_start3A_53, %dma_start3A_61, %mul3A_2] : memref<3x50x16384xf32, #tpu.memory_space<hbm>> -> memref<1x24x512xf32, #tpu.memory_space<hbm>>
    %dma_start3A_63 = tpu.memref_squeeze %dma_start3A_62 : memref<1x24x512xf32, #tpu.memory_space<hbm>> -> memref<24x512xf32, #tpu.memory_space<hbm>>
    %dma_start3A_64 = arith.constant 0 : i32
    %dma_start3A_65 = arith.constant 0 : i32
    %dma_start3A_66 = tpu.memref_slice %arg7[%dma_start3A_52, %dma_start3A_64, %dma_start3A_65] : memref<3x50x512xf32, #tpu.memory_space<vmem>> -> memref<1x24x512xf32, #tpu.memory_space<vmem>>
    %dma_start3A_67 = tpu.memref_squeeze %dma_start3A_66 : memref<1x24x512xf32, #tpu.memory_space<vmem>> -> memref<24x512xf32, #tpu.memory_space<vmem>>
    tpu.enqueue_dma source(%dma_start3A_67 : memref<24x512xf32, #tpu.memory_space<vmem>>) target(%dma_start3A_63 : memref<24x512xf32, #tpu.memory_space<hbm>>) target_semaphore(%arg11 : memref<!tpu.dma_semaphore, #tpu.memory_space<semaphore_mem>>)
    %dma_start3A_68 = arith.constant 1 : i32
    %dma_start3A_69 = arith.constant 1 : i32
    %dma_start3A_70 = arith.constant 0 : i32
    %dma_start3A_71 = arith.constant 0 : i32
    %dma_start3A_72 = tpu.memref_slice %arg7[%dma_start3A_68, %dma_start3A_70, %dma_start3A_71] : memref<3x50x512xf32, #tpu.memory_space<vmem>> -> memref<1x24x512xf32, #tpu.memory_space<vmem>>
    %dma_start3A_73 = tpu.memref_squeeze %dma_start3A_72 : memref<1x24x512xf32, #tpu.memory_space<vmem>> -> memref<24x512xf32, #tpu.memory_space<vmem>>
    %dma_start3A_74 = arith.constant 0 : i32
    %dma_start3A_75 = tpu.memref_slice %arg4[%dma_start3A_69, %dma_start3A_74, %mul3A_2] : memref<3x50x16384xf32, #tpu.memory_space<hbm>> -> memref<1x24x512xf32, #tpu.memory_space<hbm>>
    %dma_start3A_76 = tpu.memref_squeeze %dma_start3A_75 : memref<1x24x512xf32, #tpu.memory_space<hbm>> -> memref<24x512xf32, #tpu.memory_space<hbm>>
    %dma_start3A_77 = arith.constant 0 : i32
    %dma_start3A_78 = tpu.memref_slice %arg4[%dma_start3A_69, %dma_start3A_77, %mul3A_2] : memref<3x50x16384xf32, #tpu.memory_space<hbm>> -> memref<1x24x512xf32, #tpu.memory_space<hbm>>
    %dma_start3A_79 = tpu.memref_squeeze %dma_start3A_78 : memref<1x24x512xf32, #tpu.memory_space<hbm>> -> memref<24x512xf32, #tpu.memory_space<hbm>>
    %dma_start3A_80 = arith.constant 0 : i32
    %dma_start3A_81 = arith.constant 0 : i32
    %dma_start3A_82 = tpu.memref_slice %arg7[%dma_start3A_68, %dma_start3A_80, %dma_start3A_81] : memref<3x50x512xf32, #tpu.memory_space<vmem>> -> memref<1x24x512xf32, #tpu.memory_space<vmem>>
    %dma_start3A_83 = tpu.memref_squeeze %dma_start3A_82 : memref<1x24x512xf32, #tpu.memory_space<vmem>> -> memref<24x512xf32, #tpu.memory_space<vmem>>
    tpu.enqueue_dma source(%dma_start3A_83 : memref<24x512xf32, #tpu.memory_space<vmem>>) target(%dma_start3A_79 : memref<24x512xf32, #tpu.memory_space<hbm>>) target_semaphore(%arg11 : memref<!tpu.dma_semaphore, #tpu.memory_space<semaphore_mem>>)
    %dma_start3A_84 = arith.constant 2 : i32
    %dma_start3A_85 = arith.constant 2 : i32
    %dma_start3A_86 = arith.constant 0 : i32
    %dma_start3A_87 = arith.constant 0 : i32
    %dma_start3A_88 = tpu.memref_slice %arg7[%dma_start3A_84, %dma_start3A_86, %dma_start3A_87] : memref<3x50x512xf32, #tpu.memory_space<vmem>> -> memref<1x24x512xf32, #tpu.memory_space<vmem>>
    %dma_start3A_89 = tpu.memref_squeeze %dma_start3A_88 : memref<1x24x512xf32, #tpu.memory_space<vmem>> -> memref<24x512xf32, #tpu.memory_space<vmem>>
    %dma_start3A_90 = arith.constant 0 : i32
    %dma_start3A_91 = tpu.memref_slice %arg4[%dma_start3A_85, %dma_start3A_90, %mul3A_2] : memref<3x50x16384xf32, #tpu.memory_space<hbm>> -> memref<1x24x512xf32, #tpu.memory_space<hbm>>
    %dma_start3A_92 = tpu.memref_squeeze %dma_start3A_91 : memref<1x24x512xf32, #tpu.memory_space<hbm>> -> memref<24x512xf32, #tpu.memory_space<hbm>>
    %dma_start3A_93 = arith.constant 0 : i32
    %dma_start3A_94 = tpu.memref_slice %arg4[%dma_start3A_85, %dma_start3A_93, %mul3A_2] : memref<3x50x16384xf32, #tpu.memory_space<hbm>> -> memref<1x24x512xf32, #tpu.memory_space<hbm>>
    %dma_start3A_95 = tpu.memref_squeeze %dma_start3A_94 : memref<1x24x512xf32, #tpu.memory_space<hbm>> -> memref<24x512xf32, #tpu.memory_space<hbm>>
    %dma_start3A_96 = arith.constant 0 : i32
    %dma_start3A_97 = arith.constant 0 : i32
    %dma_start3A_98 = tpu.memref_slice %arg7[%dma_start3A_84, %dma_start3A_96, %dma_start3A_97] : memref<3x50x512xf32, #tpu.memory_space<vmem>> -> memref<1x24x512xf32, #tpu.memory_space<vmem>>
    %dma_start3A_99 = tpu.memref_squeeze %dma_start3A_98 : memref<1x24x512xf32, #tpu.memory_space<vmem>> -> memref<24x512xf32, #tpu.memory_space<vmem>>
    tpu.enqueue_dma source(%dma_start3A_99 : memref<24x512xf32, #tpu.memory_space<vmem>>) target(%dma_start3A_95 : memref<24x512xf32, #tpu.memory_space<hbm>>) target_semaphore(%arg11 : memref<!tpu.dma_semaphore, #tpu.memory_space<semaphore_mem>>)
    %dma_wait3A_100 = arith.constant 24 : i32
    %dma_wait3A_101 = arith.constant 0 : i32
    %dma_wait3A_102 = tpu.memref_slice %arg6[%dma_wait3A_100, %dma_wait3A_101] : memref<50x512xi32, #tpu.memory_space<vmem>> -> memref<24x512xi32, #tpu.memory_space<vmem>>
    %dma_wait3A_103 = arith.constant 24 : i32
    %dma_wait3A_104 = tpu.memref_slice %arg3[%dma_wait3A_103, %mul3A_2] : memref<50x16384xi32, #tpu.memory_space<hbm>> -> memref<24x512xi32, #tpu.memory_space<hbm>>
    %dma_wait3A_105 = arith.constant 24 : i32
    %dma_wait3A_106 = arith.constant 0 : i32
    %dma_wait3A_107 = tpu.memref_slice %arg6[%dma_wait3A_105, %dma_wait3A_106] : memref<50x512xi32, #tpu.memory_space<vmem>> -> memref<24x512xi32, #tpu.memory_space<vmem>>
    %dma_wait3A_108 = arith.constant 24 : i32
    %dma_wait3A_109 = tpu.memref_slice %arg3[%dma_wait3A_108, %mul3A_2] : memref<50x16384xi32, #tpu.memory_space<hbm>> -> memref<24x512xi32, #tpu.memory_space<hbm>>
    tpu.wait_dma2 semaphore(%arg9 : memref<!tpu.dma_semaphore, #tpu.memory_space<semaphore_mem>>) src(%dma_wait3A_109 : memref<24x512xi32, #tpu.memory_space<hbm>>) dst(%dma_wait3A_107 : memref<24x512xi32, #tpu.memory_space<vmem>>)
    %parallel_loop3A_110 = arith.constant 0 : i32
    %parallel_loop3A_111 = arith.constant 768 : i32
    %parallel_loop3A_112 = arith.constant 1 : i32
    scf.for %parallel_loop3A_366 = %parallel_loop3A_110 to %parallel_loop3A_111 step %parallel_loop3A_112  : i32 {
      %parallel_loop3A_367 = arith.constant 32 : i32
      %parallel_loop3A_368 = arith.divsi %parallel_loop3A_366, %parallel_loop3A_367 : i32
      %parallel_loop3A_369 = arith.constant 0 : i32
      %parallel_loop3A_370 = arith.cmpi sgt, %parallel_loop3A_366, %parallel_loop3A_369 : i32
      %parallel_loop3A_371 = arith.extui %parallel_loop3A_370 : i1 to i32
      %parallel_loop3A_372 = arith.constant 0 : i32
      %parallel_loop3A_373 = arith.cmpi slt, %parallel_loop3A_366, %parallel_loop3A_372 : i32
      %parallel_loop3A_374 = arith.extui %parallel_loop3A_373 : i1 to i32
      %parallel_loop3A_375 = arith.subi %parallel_loop3A_371, %parallel_loop3A_374 : i32
      %parallel_loop3A_376 = arith.constant 0 : i32
      %parallel_loop3A_377 = arith.cmpi sgt, %parallel_loop3A_367, %parallel_loop3A_376 : i32
      %parallel_loop3A_378 = arith.extui %parallel_loop3A_377 : i1 to i32
      %parallel_loop3A_379 = arith.constant 0 : i32
      %parallel_loop3A_380 = arith.cmpi slt, %parallel_loop3A_367, %parallel_loop3A_379 : i32
      %parallel_loop3A_381 = arith.extui %parallel_loop3A_380 : i1 to i32
      %parallel_loop3A_382 = arith.subi %parallel_loop3A_378, %parallel_loop3A_381 : i32
      %parallel_loop3A_383 = arith.cmpi ne, %parallel_loop3A_375, %parallel_loop3A_382 : i32
      %parallel_loop3A_384 = arith.remsi %parallel_loop3A_366, %parallel_loop3A_367 : i32
      %parallel_loop3A_385 = arith.constant 0 : i32
      %parallel_loop3A_386 = arith.cmpi ne, %parallel_loop3A_384, %parallel_loop3A_385 : i32
      %parallel_loop3A_387 = arith.andi %parallel_loop3A_383, %parallel_loop3A_386 : i1
      %parallel_loop3A_388 = arith.constant 1 : i32
      %parallel_loop3A_389 = arith.subi %parallel_loop3A_368, %parallel_loop3A_388 : i32
      %parallel_loop3A_390 = arith.select %parallel_loop3A_387, %parallel_loop3A_389, %parallel_loop3A_368 : i32
      %parallel_loop3A_391 = arith.constant 24 : i32
      %parallel_loop3A_392 = arith.addi %parallel_loop3A_391, %parallel_loop3A_390 : i32
      %parallel_loop3A_393 = arith.constant 32 : i32
      %parallel_loop3A_394 = arith.constant 0 : i32
      %parallel_loop3A_395 = arith.cmpi eq, %parallel_loop3A_393, %parallel_loop3A_394 : i32
      %parallel_loop3A_396 = arith.constant 1 : i32
      %parallel_loop3A_397 = arith.select %parallel_loop3A_395, %parallel_loop3A_396, %parallel_loop3A_393 : i32
      %parallel_loop3A_398 = arith.remsi %parallel_loop3A_366, %parallel_loop3A_397 : i32
      %parallel_loop3A_399 = arith.constant 0 : i32
      %parallel_loop3A_400 = arith.cmpi ne, %parallel_loop3A_398, %parallel_loop3A_399 : i32
      %parallel_loop3A_401 = arith.constant 0 : i32
      %parallel_loop3A_402 = arith.cmpi slt, %parallel_loop3A_398, %parallel_loop3A_401 : i32
      %parallel_loop3A_403 = arith.constant 0 : i32
      %parallel_loop3A_404 = arith.cmpi slt, %parallel_loop3A_397, %parallel_loop3A_403 : i32
      %parallel_loop3A_405 = arith.xori %parallel_loop3A_402, %parallel_loop3A_404 : i1
      %parallel_loop3A_406 = arith.andi %parallel_loop3A_405, %parallel_loop3A_400 : i1
      %parallel_loop3A_407 = arith.addi %parallel_loop3A_398, %parallel_loop3A_397 : i32
      %parallel_loop3A_408 = arith.select %parallel_loop3A_406, %parallel_loop3A_407, %parallel_loop3A_398 : i32
      %parallel_loop3A_409 = arith.constant 16 : i32
      %parallel_loop3A_410 = arith.muli %parallel_loop3A_408, %parallel_loop3A_409 : i32
      %parallel_loop3A_411 = arith.index_cast %parallel_loop3A_392 : i32 to index
      %parallel_loop3A_412 = arith.index_cast %parallel_loop3A_410 : i32 to index
      %parallel_loop3A_413 = tpu.vector_load %arg6[%parallel_loop3A_411, %parallel_loop3A_412] {strides = array<i32>} : memref<50x512xi32, #tpu.memory_space<vmem>>, vector<16xi32>,
      %parallel_loop3A_414 = arith.constant 15 : i32
      %parallel_loop3A_415 = vector.broadcast %parallel_loop3A_414 : i32 to vector<16xi32>
      %parallel_loop3A_416 = arith.andi %parallel_loop3A_413, %parallel_loop3A_415 : vector<16xi32>
      %parallel_loop3A_417 = arith.constant 0 : i32
      %parallel_loop3A_418 = vector.broadcast %parallel_loop3A_417 : i32 to vector<16xi32>
      %parallel_loop3A_419 = arith.cmpi slt, %parallel_loop3A_416, %parallel_loop3A_418 : vector<16xi32>
      %parallel_loop3A_420 = arith.constant 16 : i32
      %parallel_loop3A_421 = vector.broadcast %parallel_loop3A_420 : i32 to vector<16xi32>
      %parallel_loop3A_422 = arith.addi %parallel_loop3A_416, %parallel_loop3A_421 : vector<16xi32>
      %parallel_loop3A_423 = arith.select %parallel_loop3A_419, %parallel_loop3A_422, %parallel_loop3A_416 : vector<16xi1>, vector<16xi32>
      %parallel_loop3A_424 = vector.shape_cast %parallel_loop3A_423 : vector<16xi32> to vector<16x1xi32>
      %parallel_loop3A_425 = vector.shape_cast %parallel_loop3A_424 : vector<16x1xi32> to vector<16xi32>
      %parallel_loop3A_426 = tpu.dynamic_gather %gather3A[%parallel_loop3A_425] in [0] : vector<16xf32>, vector<16xi32> -> vector<16xf32>
      %parallel_loop3A_427 = arith.constant 0 : i32
      %parallel_loop3A_428 = arith.index_cast %parallel_loop3A_427 : i32 to index
      %parallel_loop3A_429 = arith.index_cast %parallel_loop3A_392 : i32 to index
      %parallel_loop3A_430 = arith.index_cast %parallel_loop3A_410 : i32 to index
      %parallel_loop3A_431 = tpu.vector_load %arg7[%parallel_loop3A_428, %parallel_loop3A_429, %parallel_loop3A_430] {strides = array<i32>} : memref<3x50x512xf32, #tpu.memory_space<vmem>>, vector<16xf32>,
      tpu.vector_store %arg7[%parallel_loop3A_428, %parallel_loop3A_429, %parallel_loop3A_430], %parallel_loop3A_426 {strides = array<i32>} : memref<3x50x512xf32, #tpu.memory_space<vmem>>, vector<16xf32>,
      %parallel_loop3A_432 = arith.constant 0 : i32
      %parallel_loop3A_433 = vector.broadcast %parallel_loop3A_432 : i32 to vector<16xi32>
      %parallel_loop3A_434 = arith.cmpi slt, %parallel_loop3A_416, %parallel_loop3A_433 : vector<16xi32>
      %parallel_loop3A_435 = arith.constant 16 : i32
      %parallel_loop3A_436 = vector.broadcast %parallel_loop3A_435 : i32 to vector<16xi32>
      %parallel_loop3A_437 = arith.addi %parallel_loop3A_416, %parallel_loop3A_436 : vector<16xi32>
      %parallel_loop3A_438 = arith.select %parallel_loop3A_434, %parallel_loop3A_437, %parallel_loop3A_416 : vector<16xi1>, vector<16xi32>
      %parallel_loop3A_439 = vector.shape_cast %parallel_loop3A_438 : vector<16xi32> to vector<16x1xi32>
      %parallel_loop3A_440 = vector.shape_cast %parallel_loop3A_439 : vector<16x1xi32> to vector<16xi32>
      %parallel_loop3A_441 = tpu.dynamic_gather %gather3A_37[%parallel_loop3A_440] in [0] : vector<16xf32>, vector<16xi32> -> vector<16xf32>
      %parallel_loop3A_442 = arith.constant 1 : i32
      %parallel_loop3A_443 = arith.index_cast %parallel_loop3A_442 : i32 to index
      %parallel_loop3A_444 = arith.index_cast %parallel_loop3A_392 : i32 to index
      %parallel_loop3A_445 = arith.index_cast %parallel_loop3A_410 : i32 to index
      %parallel_loop3A_446 = tpu.vector_load %arg7[%parallel_loop3A_443, %parallel_loop3A_444, %parallel_loop3A_445] {strides = array<i32>} : memref<3x50x512xf32, #tpu.memory_space<vmem>>, vector<16xf32>,
      tpu.vector_store %arg7[%parallel_loop3A_443, %parallel_loop3A_444, %parallel_loop3A_445], %parallel_loop3A_441 {strides = array<i32>} : memref<3x50x512xf32, #tpu.memory_space<vmem>>, vector<16xf32>,
      %parallel_loop3A_447 = arith.constant 0 : i32
      %parallel_loop3A_448 = vector.broadcast %parallel_loop3A_447 : i32 to vector<16xi32>
      %parallel_loop3A_449 = arith.cmpi slt, %parallel_loop3A_416, %parallel_loop3A_448 : vector<16xi32>
      %parallel_loop3A_450 = arith.constant 16 : i32
      %parallel_loop3A_451 = vector.broadcast %parallel_loop3A_450 : i32 to vector<16xi32>
      %parallel_loop3A_452 = arith.addi %parallel_loop3A_416, %parallel_loop3A_451 : vector<16xi32>
      %parallel_loop3A_453 = arith.select %parallel_loop3A_449, %parallel_loop3A_452, %parallel_loop3A_416 : vector<16xi1>, vector<16xi32>
      %parallel_loop3A_454 = vector.shape_cast %parallel_loop3A_453 : vector<16xi32> to vector<16x1xi32>
      %parallel_loop3A_455 = vector.shape_cast %parallel_loop3A_454 : vector<16x1xi32> to vector<16xi32>
      %parallel_loop3A_456 = tpu.dynamic_gather %gather3A_40[%parallel_loop3A_455] in [0] : vector<16xf32>, vector<16xi32> -> vector<16xf32>
      %parallel_loop3A_457 = arith.constant 2 : i32
      %parallel_loop3A_458 = arith.index_cast %parallel_loop3A_457 : i32 to index
      %parallel_loop3A_459 = arith.index_cast %parallel_loop3A_392 : i32 to index
      %parallel_loop3A_460 = arith.index_cast %parallel_loop3A_410 : i32 to index
      %parallel_loop3A_461 = tpu.vector_load %arg7[%parallel_loop3A_458, %parallel_loop3A_459, %parallel_loop3A_460] {strides = array<i32>} : memref<3x50x512xf32, #tpu.memory_space<vmem>>, vector<16xf32>,
      tpu.vector_store %arg7[%parallel_loop3A_458, %parallel_loop3A_459, %parallel_loop3A_460], %parallel_loop3A_456 {strides = array<i32>} : memref<3x50x512xf32, #tpu.memory_space<vmem>>, vector<16xf32>,
    } {sc.loop_unroll_factor = 4 : i64, sc.parallel_access}
    %dma_start3A_113 = arith.constant 0 : i32
    %dma_start3A_114 = arith.constant 0 : i32
    %dma_start3A_115 = arith.constant 24 : i32
    %dma_start3A_116 = arith.constant 0 : i32
    %dma_start3A_117 = tpu.memref_slice %arg7[%dma_start3A_113, %dma_start3A_115, %dma_start3A_116] : memref<3x50x512xf32, #tpu.memory_space<vmem>> -> memref<1x24x512xf32, #tpu.memory_space<vmem>>
    %dma_start3A_118 = tpu.memref_squeeze %dma_start3A_117 : memref<1x24x512xf32, #tpu.memory_space<vmem>> -> memref<24x512xf32, #tpu.memory_space<vmem>>
    %dma_start3A_119 = arith.constant 24 : i32
    %dma_start3A_120 = tpu.memref_slice %arg4[%dma_start3A_114, %dma_start3A_119, %mul3A_2] : memref<3x50x16384xf32, #tpu.memory_space<hbm>> -> memref<1x24x512xf32, #tpu.memory_space<hbm>>
    %dma_start3A_121 = tpu.memref_squeeze %dma_start3A_120 : memref<1x24x512xf32, #tpu.memory_space<hbm>> -> memref<24x512xf32, #tpu.memory_space<hbm>>
    %dma_start3A_122 = arith.constant 24 : i32
    %dma_start3A_123 = tpu.memref_slice %arg4[%dma_start3A_114, %dma_start3A_122, %mul3A_2] : memref<3x50x16384xf32, #tpu.memory_space<hbm>> -> memref<1x24x512xf32, #tpu.memory_space<hbm>>
    %dma_start3A_124 = tpu.memref_squeeze %dma_start3A_123 : memref<1x24x512xf32, #tpu.memory_space<hbm>> -> memref<24x512xf32, #tpu.memory_space<hbm>>
    %dma_start3A_125 = arith.constant 24 : i32
    %dma_start3A_126 = arith.constant 0 : i32
    %dma_start3A_127 = tpu.memref_slice %arg7[%dma_start3A_113, %dma_start3A_125, %dma_start3A_126] : memref<3x50x512xf32, #tpu.memory_space<vmem>> -> memref<1x24x512xf32, #tpu.memory_space<vmem>>
    %dma_start3A_128 = tpu.memref_squeeze %dma_start3A_127 : memref<1x24x512xf32, #tpu.memory_space<vmem>> -> memref<24x512xf32, #tpu.memory_space<vmem>>
    tpu.enqueue_dma source(%dma_start3A_128 : memref<24x512xf32, #tpu.memory_space<vmem>>) target(%dma_start3A_124 : memref<24x512xf32, #tpu.memory_space<hbm>>) target_semaphore(%arg11 : memref<!tpu.dma_semaphore, #tpu.memory_space<semaphore_mem>>)
    %dma_start3A_129 = arith.constant 1 : i32
    %dma_start3A_130 = arith.constant 1 : i32
    %dma_start3A_131 = arith.constant 24 : i32
    %dma_start3A_132 = arith.constant 0 : i32
    %dma_start3A_133 = tpu.memref_slice %arg7[%dma_start3A_129, %dma_start3A_131, %dma_start3A_132] : memref<3x50x512xf32, #tpu.memory_space<vmem>> -> memref<1x24x512xf32, #tpu.memory_space<vmem>>
    %dma_start3A_134 = tpu.memref_squeeze %dma_start3A_133 : memref<1x24x512xf32, #tpu.memory_space<vmem>> -> memref<24x512xf32, #tpu.memory_space<vmem>>
    %dma_start3A_135 = arith.constant 24 : i32
    %dma_start3A_136 = tpu.memref_slice %arg4[%dma_start3A_130, %dma_start3A_135, %mul3A_2] : memref<3x50x16384xf32, #tpu.memory_space<hbm>> -> memref<1x24x512xf32, #tpu.memory_space<hbm>>
    %dma_start3A_137 = tpu.memref_squeeze %dma_start3A_136 : memref<1x24x512xf32, #tpu.memory_space<hbm>> -> memref<24x512xf32, #tpu.memory_space<hbm>>
    %dma_start3A_138 = arith.constant 24 : i32
    %dma_start3A_139 = tpu.memref_slice %arg4[%dma_start3A_130, %dma_start3A_138, %mul3A_2] : memref<3x50x16384xf32, #tpu.memory_space<hbm>> -> memref<1x24x512xf32, #tpu.memory_space<hbm>>
    %dma_start3A_140 = tpu.memref_squeeze %dma_start3A_139 : memref<1x24x512xf32, #tpu.memory_space<hbm>> -> memref<24x512xf32, #tpu.memory_space<hbm>>
    %dma_start3A_141 = arith.constant 24 : i32
    %dma_start3A_142 = arith.constant 0 : i32
    %dma_start3A_143 = tpu.memref_slice %arg7[%dma_start3A_129, %dma_start3A_141, %dma_start3A_142] : memref<3x50x512xf32, #tpu.memory_space<vmem>> -> memref<1x24x512xf32, #tpu.memory_space<vmem>>
    %dma_start3A_144 = tpu.memref_squeeze %dma_start3A_143 : memref<1x24x512xf32, #tpu.memory_space<vmem>> -> memref<24x512xf32, #tpu.memory_space<vmem>>
    tpu.enqueue_dma source(%dma_start3A_144 : memref<24x512xf32, #tpu.memory_space<vmem>>) target(%dma_start3A_140 : memref<24x512xf32, #tpu.memory_space<hbm>>) target_semaphore(%arg11 : memref<!tpu.dma_semaphore, #tpu.memory_space<semaphore_mem>>)
    %dma_start3A_145 = arith.constant 2 : i32
    %dma_start3A_146 = arith.constant 2 : i32
    %dma_start3A_147 = arith.constant 24 : i32
    %dma_start3A_148 = arith.constant 0 : i32
    %dma_start3A_149 = tpu.memref_slice %arg7[%dma_start3A_145, %dma_start3A_147, %dma_start3A_148] : memref<3x50x512xf32, #tpu.memory_space<vmem>> -> memref<1x24x512xf32, #tpu.memory_space<vmem>>
    %dma_start3A_150 = tpu.memref_squeeze %dma_start3A_149 : memref<1x24x512xf32, #tpu.memory_space<vmem>> -> memref<24x512xf32, #tpu.memory_space<vmem>>
    %dma_start3A_151 = arith.constant 24 : i32
    %dma_start3A_152 = tpu.memref_slice %arg4[%dma_start3A_146, %dma_start3A_151, %mul3A_2] : memref<3x50x16384xf32, #tpu.memory_space<hbm>> -> memref<1x24x512xf32, #tpu.memory_space<hbm>>
    %dma_start3A_153 = tpu.memref_squeeze %dma_start3A_152 : memref<1x24x512xf32, #tpu.memory_space<hbm>> -> memref<24x512xf32, #tpu.memory_space<hbm>>
    %dma_start3A_154 = arith.constant 24 : i32
    %dma_start3A_155 = tpu.memref_slice %arg4[%dma_start3A_146, %dma_start3A_154, %mul3A_2] : memref<3x50x16384xf32, #tpu.memory_space<hbm>> -> memref<1x24x512xf32, #tpu.memory_space<hbm>>
    %dma_start3A_156 = tpu.memref_squeeze %dma_start3A_155 : memref<1x24x512xf32, #tpu.memory_space<hbm>> -> memref<24x512xf32, #tpu.memory_space<hbm>>
    %dma_start3A_157 = arith.constant 24 : i32
    %dma_start3A_158 = arith.constant 0 : i32
    %dma_start3A_159 = tpu.memref_slice %arg7[%dma_start3A_145, %dma_start3A_157, %dma_start3A_158] : memref<3x50x512xf32, #tpu.memory_space<vmem>> -> memref<1x24x512xf32, #tpu.memory_space<vmem>>
    %dma_start3A_160 = tpu.memref_squeeze %dma_start3A_159 : memref<1x24x512xf32, #tpu.memory_space<vmem>> -> memref<24x512xf32, #tpu.memory_space<vmem>>
    tpu.enqueue_dma source(%dma_start3A_160 : memref<24x512xf32, #tpu.memory_space<vmem>>) target(%dma_start3A_156 : memref<24x512xf32, #tpu.memory_space<hbm>>) target_semaphore(%arg11 : memref<!tpu.dma_semaphore, #tpu.memory_space<semaphore_mem>>)
    %dma_wait3A_161 = arith.constant 48 : i32
    %dma_wait3A_162 = arith.constant 0 : i32
    %dma_wait3A_163 = tpu.memref_slice %arg6[%dma_wait3A_161, %dma_wait3A_162] : memref<50x512xi32, #tpu.memory_space<vmem>> -> memref<2x512xi32, #tpu.memory_space<vmem>>
    %dma_wait3A_164 = arith.constant 48 : i32
    %dma_wait3A_165 = tpu.memref_slice %arg3[%dma_wait3A_164, %mul3A_2] : memref<50x16384xi32, #tpu.memory_space<hbm>> -> memref<2x512xi32, #tpu.memory_space<hbm>>
    %dma_wait3A_166 = arith.constant 48 : i32
    %dma_wait3A_167 = arith.constant 0 : i32
    %dma_wait3A_168 = tpu.memref_slice %arg6[%dma_wait3A_166, %dma_wait3A_167] : memref<50x512xi32, #tpu.memory_space<vmem>> -> memref<2x512xi32, #tpu.memory_space<vmem>>
    %dma_wait3A_169 = arith.constant 48 : i32
    %dma_wait3A_170 = tpu.memref_slice %arg3[%dma_wait3A_169, %mul3A_2] : memref<50x16384xi32, #tpu.memory_space<hbm>> -> memref<2x512xi32, #tpu.memory_space<hbm>>
    tpu.wait_dma2 semaphore(%arg10 : memref<!tpu.dma_semaphore, #tpu.memory_space<semaphore_mem>>) src(%dma_wait3A_170 : memref<2x512xi32, #tpu.memory_space<hbm>>) dst(%dma_wait3A_168 : memref<2x512xi32, #tpu.memory_space<vmem>>)
    %parallel_loop3A_171 = arith.constant 0 : i32
    %parallel_loop3A_172 = arith.constant 64 : i32
    %parallel_loop3A_173 = arith.constant 1 : i32
    scf.for %parallel_loop3A_366 = %parallel_loop3A_171 to %parallel_loop3A_172 step %parallel_loop3A_173  : i32 {
      %parallel_loop3A_367 = arith.constant 32 : i32
      %parallel_loop3A_368 = arith.divsi %parallel_loop3A_366, %parallel_loop3A_367 : i32
      %parallel_loop3A_369 = arith.constant 0 : i32
      %parallel_loop3A_370 = arith.cmpi sgt, %parallel_loop3A_366, %parallel_loop3A_369 : i32
      %parallel_loop3A_371 = arith.extui %parallel_loop3A_370 : i1 to i32
      %parallel_loop3A_372 = arith.constant 0 : i32
      %parallel_loop3A_373 = arith.cmpi slt, %parallel_loop3A_366, %parallel_loop3A_372 : i32
      %parallel_loop3A_374 = arith.extui %parallel_loop3A_373 : i1 to i32
      %parallel_loop3A_375 = arith.subi %parallel_loop3A_371, %parallel_loop3A_374 : i32
      %parallel_loop3A_376 = arith.constant 0 : i32
      %parallel_loop3A_377 = arith.cmpi sgt, %parallel_loop3A_367, %parallel_loop3A_376 : i32
      %parallel_loop3A_378 = arith.extui %parallel_loop3A_377 : i1 to i32
      %parallel_loop3A_379 = arith.constant 0 : i32
      %parallel_loop3A_380 = arith.cmpi slt, %parallel_loop3A_367, %parallel_loop3A_379 : i32
      %parallel_loop3A_381 = arith.extui %parallel_loop3A_380 : i1 to i32
      %parallel_loop3A_382 = arith.subi %parallel_loop3A_378, %parallel_loop3A_381 : i32
      %parallel_loop3A_383 = arith.cmpi ne, %parallel_loop3A_375, %parallel_loop3A_382 : i32
      %parallel_loop3A_384 = arith.remsi %parallel_loop3A_366, %parallel_loop3A_367 : i32
      %parallel_loop3A_385 = arith.constant 0 : i32
      %parallel_loop3A_386 = arith.cmpi ne, %parallel_loop3A_384, %parallel_loop3A_385 : i32
      %parallel_loop3A_387 = arith.andi %parallel_loop3A_383, %parallel_loop3A_386 : i1
      %parallel_loop3A_388 = arith.constant 1 : i32
      %parallel_loop3A_389 = arith.subi %parallel_loop3A_368, %parallel_loop3A_388 : i32
      %parallel_loop3A_390 = arith.select %parallel_loop3A_387, %parallel_loop3A_389, %parallel_loop3A_368 : i32
      %parallel_loop3A_391 = arith.constant 48 : i32
      %parallel_loop3A_392 = arith.addi %parallel_loop3A_391, %parallel_loop3A_390 : i32
      %parallel_loop3A_393 = arith.constant 32 : i32
      %parallel_loop3A_394 = arith.constant 0 : i32
      %parallel_loop3A_395 = arith.cmpi eq, %parallel_loop3A_393, %parallel_loop3A_394 : i32
      %parallel_loop3A_396 = arith.constant 1 : i32
      %parallel_loop3A_397 = arith.select %parallel_loop3A_395, %parallel_loop3A_396, %parallel_loop3A_393 : i32
      %parallel_loop3A_398 = arith.remsi %parallel_loop3A_366, %parallel_loop3A_397 : i32
      %parallel_loop3A_399 = arith.constant 0 : i32
      %parallel_loop3A_400 = arith.cmpi ne, %parallel_loop3A_398, %parallel_loop3A_399 : i32
      %parallel_loop3A_401 = arith.constant 0 : i32
      %parallel_loop3A_402 = arith.cmpi slt, %parallel_loop3A_398, %parallel_loop3A_401 : i32
      %parallel_loop3A_403 = arith.constant 0 : i32
      %parallel_loop3A_404 = arith.cmpi slt, %parallel_loop3A_397, %parallel_loop3A_403 : i32
      %parallel_loop3A_405 = arith.xori %parallel_loop3A_402, %parallel_loop3A_404 : i1
      %parallel_loop3A_406 = arith.andi %parallel_loop3A_405, %parallel_loop3A_400 : i1
      %parallel_loop3A_407 = arith.addi %parallel_loop3A_398, %parallel_loop3A_397 : i32
      %parallel_loop3A_408 = arith.select %parallel_loop3A_406, %parallel_loop3A_407, %parallel_loop3A_398 : i32
      %parallel_loop3A_409 = arith.constant 16 : i32
      %parallel_loop3A_410 = arith.muli %parallel_loop3A_408, %parallel_loop3A_409 : i32
      %parallel_loop3A_411 = arith.index_cast %parallel_loop3A_392 : i32 to index
      %parallel_loop3A_412 = arith.index_cast %parallel_loop3A_410 : i32 to index
      %parallel_loop3A_413 = tpu.vector_load %arg6[%parallel_loop3A_411, %parallel_loop3A_412] {strides = array<i32>} : memref<50x512xi32, #tpu.memory_space<vmem>>, vector<16xi32>,
      %parallel_loop3A_414 = arith.constant 15 : i32
      %parallel_loop3A_415 = vector.broadcast %parallel_loop3A_414 : i32 to vector<16xi32>
      %parallel_loop3A_416 = arith.andi %parallel_loop3A_413, %parallel_loop3A_415 : vector<16xi32>
      %parallel_loop3A_417 = arith.constant 0 : i32
      %parallel_loop3A_418 = vector.broadcast %parallel_loop3A_417 : i32 to vector<16xi32>
      %parallel_loop3A_419 = arith.cmpi slt, %parallel_loop3A_416, %parallel_loop3A_418 : vector<16xi32>
      %parallel_loop3A_420 = arith.constant 16 : i32
      %parallel_loop3A_421 = vector.broadcast %parallel_loop3A_420 : i32 to vector<16xi32>
      %parallel_loop3A_422 = arith.addi %parallel_loop3A_416, %parallel_loop3A_421 : vector<16xi32>
      %parallel_loop3A_423 = arith.select %parallel_loop3A_419, %parallel_loop3A_422, %parallel_loop3A_416 : vector<16xi1>, vector<16xi32>
      %parallel_loop3A_424 = vector.shape_cast %parallel_loop3A_423 : vector<16xi32> to vector<16x1xi32>
      %parallel_loop3A_425 = vector.shape_cast %parallel_loop3A_424 : vector<16x1xi32> to vector<16xi32>
      %parallel_loop3A_426 = tpu.dynamic_gather %gather3A[%parallel_loop3A_425] in [0] : vector<16xf32>, vector<16xi32> -> vector<16xf32>
      %parallel_loop3A_427 = arith.constant 0 : i32
      %parallel_loop3A_428 = arith.index_cast %parallel_loop3A_427 : i32 to index
      %parallel_loop3A_429 = arith.index_cast %parallel_loop3A_392 : i32 to index
      %parallel_loop3A_430 = arith.index_cast %parallel_loop3A_410 : i32 to index
      %parallel_loop3A_431 = tpu.vector_load %arg7[%parallel_loop3A_428, %parallel_loop3A_429, %parallel_loop3A_430] {strides = array<i32>} : memref<3x50x512xf32, #tpu.memory_space<vmem>>, vector<16xf32>,
      tpu.vector_store %arg7[%parallel_loop3A_428, %parallel_loop3A_429, %parallel_loop3A_430], %parallel_loop3A_426 {strides = array<i32>} : memref<3x50x512xf32, #tpu.memory_space<vmem>>, vector<16xf32>,
      %parallel_loop3A_432 = arith.constant 0 : i32
      %parallel_loop3A_433 = vector.broadcast %parallel_loop3A_432 : i32 to vector<16xi32>
      %parallel_loop3A_434 = arith.cmpi slt, %parallel_loop3A_416, %parallel_loop3A_433 : vector<16xi32>
      %parallel_loop3A_435 = arith.constant 16 : i32
      %parallel_loop3A_436 = vector.broadcast %parallel_loop3A_435 : i32 to vector<16xi32>
      %parallel_loop3A_437 = arith.addi %parallel_loop3A_416, %parallel_loop3A_436 : vector<16xi32>
      %parallel_loop3A_438 = arith.select %parallel_loop3A_434, %parallel_loop3A_437, %parallel_loop3A_416 : vector<16xi1>, vector<16xi32>
      %parallel_loop3A_439 = vector.shape_cast %parallel_loop3A_438 : vector<16xi32> to vector<16x1xi32>
      %parallel_loop3A_440 = vector.shape_cast %parallel_loop3A_439 : vector<16x1xi32> to vector<16xi32>
      %parallel_loop3A_441 = tpu.dynamic_gather %gather3A_37[%parallel_loop3A_440] in [0] : vector<16xf32>, vector<16xi32> -> vector<16xf32>
      %parallel_loop3A_442 = arith.constant 1 : i32
      %parallel_loop3A_443 = arith.index_cast %parallel_loop3A_442 : i32 to index
      %parallel_loop3A_444 = arith.index_cast %parallel_loop3A_392 : i32 to index
      %parallel_loop3A_445 = arith.index_cast %parallel_loop3A_410 : i32 to index
      %parallel_loop3A_446 = tpu.vector_load %arg7[%parallel_loop3A_443, %parallel_loop3A_444, %parallel_loop3A_445] {strides = array<i32>} : memref<3x50x512xf32, #tpu.memory_space<vmem>>, vector<16xf32>,
      tpu.vector_store %arg7[%parallel_loop3A_443, %parallel_loop3A_444, %parallel_loop3A_445], %parallel_loop3A_441 {strides = array<i32>} : memref<3x50x512xf32, #tpu.memory_space<vmem>>, vector<16xf32>,
      %parallel_loop3A_447 = arith.constant 0 : i32
      %parallel_loop3A_448 = vector.broadcast %parallel_loop3A_447 : i32 to vector<16xi32>
      %parallel_loop3A_449 = arith.cmpi slt, %parallel_loop3A_416, %parallel_loop3A_448 : vector<16xi32>
      %parallel_loop3A_450 = arith.constant 16 : i32
      %parallel_loop3A_451 = vector.broadcast %parallel_loop3A_450 : i32 to vector<16xi32>
      %parallel_loop3A_452 = arith.addi %parallel_loop3A_416, %parallel_loop3A_451 : vector<16xi32>
      %parallel_loop3A_453 = arith.select %parallel_loop3A_449, %parallel_loop3A_452, %parallel_loop3A_416 : vector<16xi1>, vector<16xi32>
      %parallel_loop3A_454 = vector.shape_cast %parallel_loop3A_453 : vector<16xi32> to vector<16x1xi32>
      %parallel_loop3A_455 = vector.shape_cast %parallel_loop3A_454 : vector<16x1xi32> to vector<16xi32>
      %parallel_loop3A_456 = tpu.dynamic_gather %gather3A_40[%parallel_loop3A_455] in [0] : vector<16xf32>, vector<16xi32> -> vector<16xf32>
      %parallel_loop3A_457 = arith.constant 2 : i32
      %parallel_loop3A_458 = arith.index_cast %parallel_loop3A_457 : i32 to index
      %parallel_loop3A_459 = arith.index_cast %parallel_loop3A_392 : i32 to index
      %parallel_loop3A_460 = arith.index_cast %parallel_loop3A_410 : i32 to index
      %parallel_loop3A_461 = tpu.vector_load %arg7[%parallel_loop3A_458, %parallel_loop3A_459, %parallel_loop3A_460] {strides = array<i32>} : memref<3x50x512xf32, #tpu.memory_space<vmem>>, vector<16xf32>,
      tpu.vector_store %arg7[%parallel_loop3A_458, %parallel_loop3A_459, %parallel_loop3A_460], %parallel_loop3A_456 {strides = array<i32>} : memref<3x50x512xf32, #tpu.memory_space<vmem>>, vector<16xf32>,
    } {sc.loop_unroll_factor = 4 : i64, sc.parallel_access}
    %dma_start3A_174 = arith.constant 0 : i32
    %dma_start3A_175 = arith.constant 0 : i32
    %dma_start3A_176 = arith.constant 48 : i32
    %dma_start3A_177 = arith.constant 0 : i32
    %dma_start3A_178 = tpu.memref_slice %arg7[%dma_start3A_174, %dma_start3A_176, %dma_start3A_177] : memref<3x50x512xf32, #tpu.memory_space<vmem>> -> memref<1x2x512xf32, #tpu.memory_space<vmem>>
    %dma_start3A_179 = tpu.memref_squeeze %dma_start3A_178 : memref<1x2x512xf32, #tpu.memory_space<vmem>> -> memref<2x512xf32, #tpu.memory_space<vmem>>
    %dma_start3A_180 = arith.constant 48 : i32
    %dma_start3A_181 = tpu.memref_slice %arg4[%dma_start3A_175, %dma_start3A_180, %mul3A_2] : memref<3x50x16384xf32, #tpu.memory_space<hbm>> -> memref<1x2x512xf32, #tpu.memory_space<hbm>>
    %dma_start3A_182 = tpu.memref_squeeze %dma_start3A_181 : memref<1x2x512xf32, #tpu.memory_space<hbm>> -> memref<2x512xf32, #tpu.memory_space<hbm>>
    %dma_start3A_183 = arith.constant 48 : i32
    %dma_start3A_184 = tpu.memref_slice %arg4[%dma_start3A_175, %dma_start3A_183, %mul3A_2] : memref<3x50x16384xf32, #tpu.memory_space<hbm>> -> memref<1x2x512xf32, #tpu.memory_space<hbm>>
    %dma_start3A_185 = tpu.memref_squeeze %dma_start3A_184 : memref<1x2x512xf32, #tpu.memory_space<hbm>> -> memref<2x512xf32, #tpu.memory_space<hbm>>
    %dma_start3A_186 = arith.constant 48 : i32
    %dma_start3A_187 = arith.constant 0 : i32
    %dma_start3A_188 = tpu.memref_slice %arg7[%dma_start3A_174, %dma_start3A_186, %dma_start3A_187] : memref<3x50x512xf32, #tpu.memory_space<vmem>> -> memref<1x2x512xf32, #tpu.memory_space<vmem>>
    %dma_start3A_189 = tpu.memref_squeeze %dma_start3A_188 : memref<1x2x512xf32, #tpu.memory_space<vmem>> -> memref<2x512xf32, #tpu.memory_space<vmem>>
    tpu.enqueue_dma source(%dma_start3A_189 : memref<2x512xf32, #tpu.memory_space<vmem>>) target(%dma_start3A_185 : memref<2x512xf32, #tpu.memory_space<hbm>>) target_semaphore(%arg11 : memref<!tpu.dma_semaphore, #tpu.memory_space<semaphore_mem>>)
    %dma_start3A_190 = arith.constant 1 : i32
    %dma_start3A_191 = arith.constant 1 : i32
    %dma_start3A_192 = arith.constant 48 : i32
    %dma_start3A_193 = arith.constant 0 : i32
    %dma_start3A_194 = tpu.memref_slice %arg7[%dma_start3A_190, %dma_start3A_192, %dma_start3A_193] : memref<3x50x512xf32, #tpu.memory_space<vmem>> -> memref<1x2x512xf32, #tpu.memory_space<vmem>>
    %dma_start3A_195 = tpu.memref_squeeze %dma_start3A_194 : memref<1x2x512xf32, #tpu.memory_space<vmem>> -> memref<2x512xf32, #tpu.memory_space<vmem>>
    %dma_start3A_196 = arith.constant 48 : i32
    %dma_start3A_197 = tpu.memref_slice %arg4[%dma_start3A_191, %dma_start3A_196, %mul3A_2] : memref<3x50x16384xf32, #tpu.memory_space<hbm>> -> memref<1x2x512xf32, #tpu.memory_space<hbm>>
    %dma_start3A_198 = tpu.memref_squeeze %dma_start3A_197 : memref<1x2x512xf32, #tpu.memory_space<hbm>> -> memref<2x512xf32, #tpu.memory_space<hbm>>
    %dma_start3A_199 = arith.constant 48 : i32
    %dma_start3A_200 = tpu.memref_slice %arg4[%dma_start3A_191, %dma_start3A_199, %mul3A_2] : memref<3x50x16384xf32, #tpu.memory_space<hbm>> -> memref<1x2x512xf32, #tpu.memory_space<hbm>>
    %dma_start3A_201 = tpu.memref_squeeze %dma_start3A_200 : memref<1x2x512xf32, #tpu.memory_space<hbm>> -> memref<2x512xf32, #tpu.memory_space<hbm>>
    %dma_start3A_202 = arith.constant 48 : i32
    %dma_start3A_203 = arith.constant 0 : i32
    %dma_start3A_204 = tpu.memref_slice %arg7[%dma_start3A_190, %dma_start3A_202, %dma_start3A_203] : memref<3x50x512xf32, #tpu.memory_space<vmem>> -> memref<1x2x512xf32, #tpu.memory_space<vmem>>
    %dma_start3A_205 = tpu.memref_squeeze %dma_start3A_204 : memref<1x2x512xf32, #tpu.memory_space<vmem>> -> memref<2x512xf32, #tpu.memory_space<vmem>>
    tpu.enqueue_dma source(%dma_start3A_205 : memref<2x512xf32, #tpu.memory_space<vmem>>) target(%dma_start3A_201 : memref<2x512xf32, #tpu.memory_space<hbm>>) target_semaphore(%arg11 : memref<!tpu.dma_semaphore, #tpu.memory_space<semaphore_mem>>)
    %dma_start3A_206 = arith.constant 2 : i32
    %dma_start3A_207 = arith.constant 2 : i32
    %dma_start3A_208 = arith.constant 48 : i32
    %dma_start3A_209 = arith.constant 0 : i32
    %dma_start3A_210 = tpu.memref_slice %arg7[%dma_start3A_206, %dma_start3A_208, %dma_start3A_209] : memref<3x50x512xf32, #tpu.memory_space<vmem>> -> memref<1x2x512xf32, #tpu.memory_space<vmem>>
    %dma_start3A_211 = tpu.memref_squeeze %dma_start3A_210 : memref<1x2x512xf32, #tpu.memory_space<vmem>> -> memref<2x512xf32, #tpu.memory_space<vmem>>
    %dma_start3A_212 = arith.constant 48 : i32
    %dma_start3A_213 = tpu.memref_slice %arg4[%dma_start3A_207, %dma_start3A_212, %mul3A_2] : memref<3x50x16384xf32, #tpu.memory_space<hbm>> -> memref<1x2x512xf32, #tpu.memory_space<hbm>>
    %dma_start3A_214 = tpu.memref_squeeze %dma_start3A_213 : memref<1x2x512xf32, #tpu.memory_space<hbm>> -> memref<2x512xf32, #tpu.memory_space<hbm>>
    %dma_start3A_215 = arith.constant 48 : i32
    %dma_start3A_216 = tpu.memref_slice %arg4[%dma_start3A_207, %dma_start3A_215, %mul3A_2] : memref<3x50x16384xf32, #tpu.memory_space<hbm>> -> memref<1x2x512xf32, #tpu.memory_space<hbm>>
    %dma_start3A_217 = tpu.memref_squeeze %dma_start3A_216 : memref<1x2x512xf32, #tpu.memory_space<hbm>> -> memref<2x512xf32, #tpu.memory_space<hbm>>
    %dma_start3A_218 = arith.constant 48 : i32
    %dma_start3A_219 = arith.constant 0 : i32
    %dma_start3A_220 = tpu.memref_slice %arg7[%dma_start3A_206, %dma_start3A_218, %dma_start3A_219] : memref<3x50x512xf32, #tpu.memory_space<vmem>> -> memref<1x2x512xf32, #tpu.memory_space<vmem>>
    %dma_start3A_221 = tpu.memref_squeeze %dma_start3A_220 : memref<1x2x512xf32, #tpu.memory_space<vmem>> -> memref<2x512xf32, #tpu.memory_space<vmem>>
    tpu.enqueue_dma source(%dma_start3A_221 : memref<2x512xf32, #tpu.memory_space<vmem>>) target(%dma_start3A_217 : memref<2x512xf32, #tpu.memory_space<hbm>>) target_semaphore(%arg11 : memref<!tpu.dma_semaphore, #tpu.memory_space<semaphore_mem>>)
    %dma_wait3A_222 = arith.constant 0 : i32
    %dma_wait3A_223 = arith.constant 0 : i32
    %dma_wait3A_224 = arith.constant 0 : i32
    %dma_wait3A_225 = arith.constant 0 : i32
    %dma_wait3A_226 = tpu.memref_slice %arg7[%dma_wait3A_222, %dma_wait3A_224, %dma_wait3A_225] : memref<3x50x512xf32, #tpu.memory_space<vmem>> -> memref<1x24x512xf32, #tpu.memory_space<vmem>>
    %dma_wait3A_227 = tpu.memref_squeeze %dma_wait3A_226 : memref<1x24x512xf32, #tpu.memory_space<vmem>> -> memref<24x512xf32, #tpu.memory_space<vmem>>
    %dma_wait3A_228 = arith.constant 0 : i32
    %dma_wait3A_229 = tpu.memref_slice %arg4[%dma_wait3A_223, %dma_wait3A_228, %mul3A_2] : memref<3x50x16384xf32, #tpu.memory_space<hbm>> -> memref<1x24x512xf32, #tpu.memory_space<hbm>>
    %dma_wait3A_230 = tpu.memref_squeeze %dma_wait3A_229 : memref<1x24x512xf32, #tpu.memory_space<hbm>> -> memref<24x512xf32, #tpu.memory_space<hbm>>
    %dma_wait3A_231 = arith.constant 0 : i32
    %dma_wait3A_232 = tpu.memref_slice %arg4[%dma_wait3A_223, %dma_wait3A_231, %mul3A_2] : memref<3x50x16384xf32, #tpu.memory_space<hbm>> -> memref<1x24x512xf32, #tpu.memory_space<hbm>>
    %dma_wait3A_233 = tpu.memref_squeeze %dma_wait3A_232 : memref<1x24x512xf32, #tpu.memory_space<hbm>> -> memref<24x512xf32, #tpu.memory_space<hbm>>
    %dma_wait3A_234 = arith.constant 0 : i32
    %dma_wait3A_235 = arith.constant 0 : i32
    %dma_wait3A_236 = tpu.memref_slice %arg7[%dma_wait3A_222, %dma_wait3A_234, %dma_wait3A_235] : memref<3x50x512xf32, #tpu.memory_space<vmem>> -> memref<1x24x512xf32, #tpu.memory_space<vmem>>
    %dma_wait3A_237 = tpu.memref_squeeze %dma_wait3A_236 : memref<1x24x512xf32, #tpu.memory_space<vmem>> -> memref<24x512xf32, #tpu.memory_space<vmem>>
    tpu.wait_dma2 semaphore(%arg11 : memref<!tpu.dma_semaphore, #tpu.memory_space<semaphore_mem>>) src(%dma_wait3A_237 : memref<24x512xf32, #tpu.memory_space<vmem>>) dst(%dma_wait3A_233 : memref<24x512xf32, #tpu.memory_space<hbm>>)
    %dma_wait3A_238 = arith.constant 1 : i32
    %dma_wait3A_239 = arith.constant 1 : i32
    %dma_wait3A_240 = arith.constant 0 : i32
    %dma_wait3A_241 = arith.constant 0 : i32
    %dma_wait3A_242 = tpu.memref_slice %arg7[%dma_wait3A_238, %dma_wait3A_240, %dma_wait3A_241] : memref<3x50x512xf32, #tpu.memory_space<vmem>> -> memref<1x24x512xf32, #tpu.memory_space<vmem>>
    %dma_wait3A_243 = tpu.memref_squeeze %dma_wait3A_242 : memref<1x24x512xf32, #tpu.memory_space<vmem>> -> memref<24x512xf32, #tpu.memory_space<vmem>>
    %dma_wait3A_244 = arith.constant 0 : i32
    %dma_wait3A_245 = tpu.memref_slice %arg4[%dma_wait3A_239, %dma_wait3A_244, %mul3A_2] : memref<3x50x16384xf32, #tpu.memory_space<hbm>> -> memref<1x24x512xf32, #tpu.memory_space<hbm>>
    %dma_wait3A_246 = tpu.memref_squeeze %dma_wait3A_245 : memref<1x24x512xf32, #tpu.memory_space<hbm>> -> memref<24x512xf32, #tpu.memory_space<hbm>>
    %dma_wait3A_247 = arith.constant 0 : i32
    %dma_wait3A_248 = tpu.memref_slice %arg4[%dma_wait3A_239, %dma_wait3A_247, %mul3A_2] : memref<3x50x16384xf32, #tpu.memory_space<hbm>> -> memref<1x24x512xf32, #tpu.memory_space<hbm>>
    %dma_wait3A_249 = tpu.memref_squeeze %dma_wait3A_248 : memref<1x24x512xf32, #tpu.memory_space<hbm>> -> memref<24x512xf32, #tpu.memory_space<hbm>>
    %dma_wait3A_250 = arith.constant 0 : i32
    %dma_wait3A_251 = arith.constant 0 : i32
    %dma_wait3A_252 = tpu.memref_slice %arg7[%dma_wait3A_238, %dma_wait3A_250, %dma_wait3A_251] : memref<3x50x512xf32, #tpu.memory_space<vmem>> -> memref<1x24x512xf32, #tpu.memory_space<vmem>>
    %dma_wait3A_253 = tpu.memref_squeeze %dma_wait3A_252 : memref<1x24x512xf32, #tpu.memory_space<vmem>> -> memref<24x512xf32, #tpu.memory_space<vmem>>
    tpu.wait_dma2 semaphore(%arg11 : memref<!tpu.dma_semaphore, #tpu.memory_space<semaphore_mem>>) src(%dma_wait3A_253 : memref<24x512xf32, #tpu.memory_space<vmem>>) dst(%dma_wait3A_249 : memref<24x512xf32, #tpu.memory_space<hbm>>)
    %dma_wait3A_254 = arith.constant 2 : i32
    %dma_wait3A_255 = arith.constant 2 : i32
    %dma_wait3A_256 = arith.constant 0 : i32
    %dma_wait3A_257 = arith.constant 0 : i32
    %dma_wait3A_258 = tpu.memref_slice %arg7[%dma_wait3A_254, %dma_wait3A_256, %dma_wait3A_257] : memref<3x50x512xf32, #tpu.memory_space<vmem>> -> memref<1x24x512xf32, #tpu.memory_space<vmem>>
    %dma_wait3A_259 = tpu.memref_squeeze %dma_wait3A_258 : memref<1x24x512xf32, #tpu.memory_space<vmem>> -> memref<24x512xf32, #tpu.memory_space<vmem>>
    %dma_wait3A_260 = arith.constant 0 : i32
    %dma_wait3A_261 = tpu.memref_slice %arg4[%dma_wait3A_255, %dma_wait3A_260, %mul3A_2] : memref<3x50x16384xf32, #tpu.memory_space<hbm>> -> memref<1x24x512xf32, #tpu.memory_space<hbm>>
    %dma_wait3A_262 = tpu.memref_squeeze %dma_wait3A_261 : memref<1x24x512xf32, #tpu.memory_space<hbm>> -> memref<24x512xf32, #tpu.memory_space<hbm>>
    %dma_wait3A_263 = arith.constant 0 : i32
    %dma_wait3A_264 = tpu.memref_slice %arg4[%dma_wait3A_255, %dma_wait3A_263, %mul3A_2] : memref<3x50x16384xf32, #tpu.memory_space<hbm>> -> memref<1x24x512xf32, #tpu.memory_space<hbm>>
    %dma_wait3A_265 = tpu.memref_squeeze %dma_wait3A_264 : memref<1x24x512xf32, #tpu.memory_space<hbm>> -> memref<24x512xf32, #tpu.memory_space<hbm>>
    %dma_wait3A_266 = arith.constant 0 : i32
    %dma_wait3A_267 = arith.constant 0 : i32
    %dma_wait3A_268 = tpu.memref_slice %arg7[%dma_wait3A_254, %dma_wait3A_266, %dma_wait3A_267] : memref<3x50x512xf32, #tpu.memory_space<vmem>> -> memref<1x24x512xf32, #tpu.memory_space<vmem>>
    %dma_wait3A_269 = tpu.memref_squeeze %dma_wait3A_268 : memref<1x24x512xf32, #tpu.memory_space<vmem>> -> memref<24x512xf32, #tpu.memory_space<vmem>>
    tpu.wait_dma2 semaphore(%arg11 : memref<!tpu.dma_semaphore, #tpu.memory_space<semaphore_mem>>) src(%dma_wait3A_269 : memref<24x512xf32, #tpu.memory_space<vmem>>) dst(%dma_wait3A_265 : memref<24x512xf32, #tpu.memory_space<hbm>>)
    %dma_wait3A_270 = arith.constant 0 : i32
    %dma_wait3A_271 = arith.constant 0 : i32
    %dma_wait3A_272 = arith.constant 24 : i32
    %dma_wait3A_273 = arith.constant 0 : i32
    %dma_wait3A_274 = tpu.memref_slice %arg7[%dma_wait3A_270, %dma_wait3A_272, %dma_wait3A_273] : memref<3x50x512xf32, #tpu.memory_space<vmem>> -> memref<1x24x512xf32, #tpu.memory_space<vmem>>
    %dma_wait3A_275 = tpu.memref_squeeze %dma_wait3A_274 : memref<1x24x512xf32, #tpu.memory_space<vmem>> -> memref<24x512xf32, #tpu.memory_space<vmem>>
    %dma_wait3A_276 = arith.constant 24 : i32
    %dma_wait3A_277 = tpu.memref_slice %arg4[%dma_wait3A_271, %dma_wait3A_276, %mul3A_2] : memref<3x50x16384xf32, #tpu.memory_space<hbm>> -> memref<1x24x512xf32, #tpu.memory_space<hbm>>
    %dma_wait3A_278 = tpu.memref_squeeze %dma_wait3A_277 : memref<1x24x512xf32, #tpu.memory_space<hbm>> -> memref<24x512xf32, #tpu.memory_space<hbm>>
    %dma_wait3A_279 = arith.constant 24 : i32
    %dma_wait3A_280 = tpu.memref_slice %arg4[%dma_wait3A_271, %dma_wait3A_279, %mul3A_2] : memref<3x50x16384xf32, #tpu.memory_space<hbm>> -> memref<1x24x512xf32, #tpu.memory_space<hbm>>
    %dma_wait3A_281 = tpu.memref_squeeze %dma_wait3A_280 : memref<1x24x512xf32, #tpu.memory_space<hbm>> -> memref<24x512xf32, #tpu.memory_space<hbm>>
    %dma_wait3A_282 = arith.constant 24 : i32
    %dma_wait3A_283 = arith.constant 0 : i32
    %dma_wait3A_284 = tpu.memref_slice %arg7[%dma_wait3A_270, %dma_wait3A_282, %dma_wait3A_283] : memref<3x50x512xf32, #tpu.memory_space<vmem>> -> memref<1x24x512xf32, #tpu.memory_space<vmem>>
    %dma_wait3A_285 = tpu.memref_squeeze %dma_wait3A_284 : memref<1x24x512xf32, #tpu.memory_space<vmem>> -> memref<24x512xf32, #tpu.memory_space<vmem>>
    tpu.wait_dma2 semaphore(%arg11 : memref<!tpu.dma_semaphore, #tpu.memory_space<semaphore_mem>>) src(%dma_wait3A_285 : memref<24x512xf32, #tpu.memory_space<vmem>>) dst(%dma_wait3A_281 : memref<24x512xf32, #tpu.memory_space<hbm>>)
    %dma_wait3A_286 = arith.constant 1 : i32
    %dma_wait3A_287 = arith.constant 1 : i32
    %dma_wait3A_288 = arith.constant 24 : i32
    %dma_wait3A_289 = arith.constant 0 : i32
    %dma_wait3A_290 = tpu.memref_slice %arg7[%dma_wait3A_286, %dma_wait3A_288, %dma_wait3A_289] : memref<3x50x512xf32, #tpu.memory_space<vmem>> -> memref<1x24x512xf32, #tpu.memory_space<vmem>>
    %dma_wait3A_291 = tpu.memref_squeeze %dma_wait3A_290 : memref<1x24x512xf32, #tpu.memory_space<vmem>> -> memref<24x512xf32, #tpu.memory_space<vmem>>
    %dma_wait3A_292 = arith.constant 24 : i32
    %dma_wait3A_293 = tpu.memref_slice %arg4[%dma_wait3A_287, %dma_wait3A_292, %mul3A_2] : memref<3x50x16384xf32, #tpu.memory_space<hbm>> -> memref<1x24x512xf32, #tpu.memory_space<hbm>>
    %dma_wait3A_294 = tpu.memref_squeeze %dma_wait3A_293 : memref<1x24x512xf32, #tpu.memory_space<hbm>> -> memref<24x512xf32, #tpu.memory_space<hbm>>
    %dma_wait3A_295 = arith.constant 24 : i32
    %dma_wait3A_296 = tpu.memref_slice %arg4[%dma_wait3A_287, %dma_wait3A_295, %mul3A_2] : memref<3x50x16384xf32, #tpu.memory_space<hbm>> -> memref<1x24x512xf32, #tpu.memory_space<hbm>>
    %dma_wait3A_297 = tpu.memref_squeeze %dma_wait3A_296 : memref<1x24x512xf32, #tpu.memory_space<hbm>> -> memref<24x512xf32, #tpu.memory_space<hbm>>
    %dma_wait3A_298 = arith.constant 24 : i32
    %dma_wait3A_299 = arith.constant 0 : i32
    %dma_wait3A_300 = tpu.memref_slice %arg7[%dma_wait3A_286, %dma_wait3A_298, %dma_wait3A_299] : memref<3x50x512xf32, #tpu.memory_space<vmem>> -> memref<1x24x512xf32, #tpu.memory_space<vmem>>
    %dma_wait3A_301 = tpu.memref_squeeze %dma_wait3A_300 : memref<1x24x512xf32, #tpu.memory_space<vmem>> -> memref<24x512xf32, #tpu.memory_space<vmem>>
    tpu.wait_dma2 semaphore(%arg11 : memref<!tpu.dma_semaphore, #tpu.memory_space<semaphore_mem>>) src(%dma_wait3A_301 : memref<24x512xf32, #tpu.memory_space<vmem>>) dst(%dma_wait3A_297 : memref<24x512xf32, #tpu.memory_space<hbm>>)
    %dma_wait3A_302 = arith.constant 2 : i32
    %dma_wait3A_303 = arith.constant 2 : i32
    %dma_wait3A_304 = arith.constant 24 : i32
    %dma_wait3A_305 = arith.constant 0 : i32
    %dma_wait3A_306 = tpu.memref_slice %arg7[%dma_wait3A_302, %dma_wait3A_304, %dma_wait3A_305] : memref<3x50x512xf32, #tpu.memory_space<vmem>> -> memref<1x24x512xf32, #tpu.memory_space<vmem>>
    %dma_wait3A_307 = tpu.memref_squeeze %dma_wait3A_306 : memref<1x24x512xf32, #tpu.memory_space<vmem>> -> memref<24x512xf32, #tpu.memory_space<vmem>>
    %dma_wait3A_308 = arith.constant 24 : i32
    %dma_wait3A_309 = tpu.memref_slice %arg4[%dma_wait3A_303, %dma_wait3A_308, %mul3A_2] : memref<3x50x16384xf32, #tpu.memory_space<hbm>> -> memref<1x24x512xf32, #tpu.memory_space<hbm>>
    %dma_wait3A_310 = tpu.memref_squeeze %dma_wait3A_309 : memref<1x24x512xf32, #tpu.memory_space<hbm>> -> memref<24x512xf32, #tpu.memory_space<hbm>>
    %dma_wait3A_311 = arith.constant 24 : i32
    %dma_wait3A_312 = tpu.memref_slice %arg4[%dma_wait3A_303, %dma_wait3A_311, %mul3A_2] : memref<3x50x16384xf32, #tpu.memory_space<hbm>> -> memref<1x24x512xf32, #tpu.memory_space<hbm>>
    %dma_wait3A_313 = tpu.memref_squeeze %dma_wait3A_312 : memref<1x24x512xf32, #tpu.memory_space<hbm>> -> memref<24x512xf32, #tpu.memory_space<hbm>>
    %dma_wait3A_314 = arith.constant 24 : i32
    %dma_wait3A_315 = arith.constant 0 : i32
    %dma_wait3A_316 = tpu.memref_slice %arg7[%dma_wait3A_302, %dma_wait3A_314, %dma_wait3A_315] : memref<3x50x512xf32, #tpu.memory_space<vmem>> -> memref<1x24x512xf32, #tpu.memory_space<vmem>>
    %dma_wait3A_317 = tpu.memref_squeeze %dma_wait3A_316 : memref<1x24x512xf32, #tpu.memory_space<vmem>> -> memref<24x512xf32, #tpu.memory_space<vmem>>
    tpu.wait_dma2 semaphore(%arg11 : memref<!tpu.dma_semaphore, #tpu.memory_space<semaphore_mem>>) src(%dma_wait3A_317 : memref<24x512xf32, #tpu.memory_space<vmem>>) dst(%dma_wait3A_313 : memref<24x512xf32, #tpu.memory_space<hbm>>)
    %dma_wait3A_318 = arith.constant 0 : i32
    %dma_wait3A_319 = arith.constant 0 : i32
    %dma_wait3A_320 = arith.constant 48 : i32
    %dma_wait3A_321 = arith.constant 0 : i32
    %dma_wait3A_322 = tpu.memref_slice %arg7[%dma_wait3A_318, %dma_wait3A_320, %dma_wait3A_321] : memref<3x50x512xf32, #tpu.memory_space<vmem>> -> memref<1x2x512xf32, #tpu.memory_space<vmem>>
    %dma_wait3A_323 = tpu.memref_squeeze %dma_wait3A_322 : memref<1x2x512xf32, #tpu.memory_space<vmem>> -> memref<2x512xf32, #tpu.memory_space<vmem>>
    %dma_wait3A_324 = arith.constant 48 : i32
    %dma_wait3A_325 = tpu.memref_slice %arg4[%dma_wait3A_319, %dma_wait3A_324, %mul3A_2] : memref<3x50x16384xf32, #tpu.memory_space<hbm>> -> memref<1x2x512xf32, #tpu.memory_space<hbm>>
    %dma_wait3A_326 = tpu.memref_squeeze %dma_wait3A_325 : memref<1x2x512xf32, #tpu.memory_space<hbm>> -> memref<2x512xf32, #tpu.memory_space<hbm>>
    %dma_wait3A_327 = arith.constant 48 : i32
    %dma_wait3A_328 = tpu.memref_slice %arg4[%dma_wait3A_319, %dma_wait3A_327, %mul3A_2] : memref<3x50x16384xf32, #tpu.memory_space<hbm>> -> memref<1x2x512xf32, #tpu.memory_space<hbm>>
    %dma_wait3A_329 = tpu.memref_squeeze %dma_wait3A_328 : memref<1x2x512xf32, #tpu.memory_space<hbm>> -> memref<2x512xf32, #tpu.memory_space<hbm>>
    %dma_wait3A_330 = arith.constant 48 : i32
    %dma_wait3A_331 = arith.constant 0 : i32
    %dma_wait3A_332 = tpu.memref_slice %arg7[%dma_wait3A_318, %dma_wait3A_330, %dma_wait3A_331] : memref<3x50x512xf32, #tpu.memory_space<vmem>> -> memref<1x2x512xf32, #tpu.memory_space<vmem>>
    %dma_wait3A_333 = tpu.memref_squeeze %dma_wait3A_332 : memref<1x2x512xf32, #tpu.memory_space<vmem>> -> memref<2x512xf32, #tpu.memory_space<vmem>>
    tpu.wait_dma2 semaphore(%arg11 : memref<!tpu.dma_semaphore, #tpu.memory_space<semaphore_mem>>) src(%dma_wait3A_333 : memref<2x512xf32, #tpu.memory_space<vmem>>) dst(%dma_wait3A_329 : memref<2x512xf32, #tpu.memory_space<hbm>>)
    %dma_wait3A_334 = arith.constant 1 : i32
    %dma_wait3A_335 = arith.constant 1 : i32
    %dma_wait3A_336 = arith.constant 48 : i32
    %dma_wait3A_337 = arith.constant 0 : i32
    %dma_wait3A_338 = tpu.memref_slice %arg7[%dma_wait3A_334, %dma_wait3A_336, %dma_wait3A_337] : memref<3x50x512xf32, #tpu.memory_space<vmem>> -> memref<1x2x512xf32, #tpu.memory_space<vmem>>
    %dma_wait3A_339 = tpu.memref_squeeze %dma_wait3A_338 : memref<1x2x512xf32, #tpu.memory_space<vmem>> -> memref<2x512xf32, #tpu.memory_space<vmem>>
    %dma_wait3A_340 = arith.constant 48 : i32
    %dma_wait3A_341 = tpu.memref_slice %arg4[%dma_wait3A_335, %dma_wait3A_340, %mul3A_2] : memref<3x50x16384xf32, #tpu.memory_space<hbm>> -> memref<1x2x512xf32, #tpu.memory_space<hbm>>
    %dma_wait3A_342 = tpu.memref_squeeze %dma_wait3A_341 : memref<1x2x512xf32, #tpu.memory_space<hbm>> -> memref<2x512xf32, #tpu.memory_space<hbm>>
    %dma_wait3A_343 = arith.constant 48 : i32
    %dma_wait3A_344 = tpu.memref_slice %arg4[%dma_wait3A_335, %dma_wait3A_343, %mul3A_2] : memref<3x50x16384xf32, #tpu.memory_space<hbm>> -> memref<1x2x512xf32, #tpu.memory_space<hbm>>
    %dma_wait3A_345 = tpu.memref_squeeze %dma_wait3A_344 : memref<1x2x512xf32, #tpu.memory_space<hbm>> -> memref<2x512xf32, #tpu.memory_space<hbm>>
    %dma_wait3A_346 = arith.constant 48 : i32
    %dma_wait3A_347 = arith.constant 0 : i32
    %dma_wait3A_348 = tpu.memref_slice %arg7[%dma_wait3A_334, %dma_wait3A_346, %dma_wait3A_347] : memref<3x50x512xf32, #tpu.memory_space<vmem>> -> memref<1x2x512xf32, #tpu.memory_space<vmem>>
    %dma_wait3A_349 = tpu.memref_squeeze %dma_wait3A_348 : memref<1x2x512xf32, #tpu.memory_space<vmem>> -> memref<2x512xf32, #tpu.memory_space<vmem>>
    tpu.wait_dma2 semaphore(%arg11 : memref<!tpu.dma_semaphore, #tpu.memory_space<semaphore_mem>>) src(%dma_wait3A_349 : memref<2x512xf32, #tpu.memory_space<vmem>>) dst(%dma_wait3A_345 : memref<2x512xf32, #tpu.memory_space<hbm>>)
    %dma_wait3A_350 = arith.constant 2 : i32
    %dma_wait3A_351 = arith.constant 2 : i32
    %dma_wait3A_352 = arith.constant 48 : i32
    %dma_wait3A_353 = arith.constant 0 : i32
    %dma_wait3A_354 = tpu.memref_slice %arg7[%dma_wait3A_350, %dma_wait3A_352, %dma_wait3A_353] : memref<3x50x512xf32, #tpu.memory_space<vmem>> -> memref<1x2x512xf32, #tpu.memory_space<vmem>>
    %dma_wait3A_355 = tpu.memref_squeeze %dma_wait3A_354 : memref<1x2x512xf32, #tpu.memory_space<vmem>> -> memref<2x512xf32, #tpu.memory_space<vmem>>
    %dma_wait3A_356 = arith.constant 48 : i32
    %dma_wait3A_357 = tpu.memref_slice %arg4[%dma_wait3A_351, %dma_wait3A_356, %mul3A_2] : memref<3x50x16384xf32, #tpu.memory_space<hbm>> -> memref<1x2x512xf32, #tpu.memory_space<hbm>>
    %dma_wait3A_358 = tpu.memref_squeeze %dma_wait3A_357 : memref<1x2x512xf32, #tpu.memory_space<hbm>> -> memref<2x512xf32, #tpu.memory_space<hbm>>
    %dma_wait3A_359 = arith.constant 48 : i32
    %dma_wait3A_360 = tpu.memref_slice %arg4[%dma_wait3A_351, %dma_wait3A_359, %mul3A_2] : memref<3x50x16384xf32, #tpu.memory_space<hbm>> -> memref<1x2x512xf32, #tpu.memory_space<hbm>>
    %dma_wait3A_361 = tpu.memref_squeeze %dma_wait3A_360 : memref<1x2x512xf32, #tpu.memory_space<hbm>> -> memref<2x512xf32, #tpu.memory_space<hbm>>
    %dma_wait3A_362 = arith.constant 48 : i32
    %dma_wait3A_363 = arith.constant 0 : i32
    %dma_wait3A_364 = tpu.memref_slice %arg7[%dma_wait3A_350, %dma_wait3A_362, %dma_wait3A_363] : memref<3x50x512xf32, #tpu.memory_space<vmem>> -> memref<1x2x512xf32, #tpu.memory_space<vmem>>
    %dma_wait3A_365 = tpu.memref_squeeze %dma_wait3A_364 : memref<1x2x512xf32, #tpu.memory_space<vmem>> -> memref<2x512xf32, #tpu.memory_space<vmem>>
    tpu.wait_dma2 semaphore(%arg11 : memref<!tpu.dma_semaphore, #tpu.memory_space<semaphore_mem>>) src(%dma_wait3A_365 : memref<2x512xf32, #tpu.memory_space<vmem>>) dst(%dma_wait3A_361 : memref<2x512xf32, #tpu.memory_space<hbm>>)
    return
  }
}

</mosaic_0001>

<sc_bundles>
// kernel: kernel.3.cloned.1.call-start
scs
__scs_entry_jumppad:
0x0: {  	(pc) =	sbr.rel $0x88, $3  }
0x1: {  	(tag) =	ssettag $0x0;
	lr =	simm.s32 $0x1  }
0x2: {  	[smem:$0x3F9F] =	sst lr;
	_ =	strace $0xD0000000  }
0x3: {  	_ = 	snop  }
0x4: {  	_ = 	snop  }
0x5: {  	_ = 	snop  }
0x6: {  	_ = 	snop  }
0x7: {  	_ = 	snop  }
__scs_overlays_trampoline_lowered:
0x8: {  	[smem:$0x3FAE] =	sst s0  }
0x9: {  	[smem:$0x3FAF] =	sst s1  }
0xa: {  	[smem:$0x3FB0] =	sst s2  }
0xb: {  	[smem:$0x3FB1] =	sst s3  }
0xc: {  	[smem:$0x3FB2] =	sst s4  }
0xd: {  	[smem:$0x3FB3] =	sst s5  }
0xe: {  	[smem:$0x3FB4] =	sst s6  }
0xf: {  	[smem:$0x3FB5] =	sst s7  }
0x10: {  	[smem:$0x3FB6] =	sst s8  }
0x11: {  	[smem:$0x3FB7] =	sst s9;
	s0 =	simm.s32 @!p0 $0x0  }
0x12: {  	s1 =	sld [smem:$0x3F9D];
	s0 =	simm.s32 @p0 $0x1  }
0x13: {  	[smem:$0x3FB8] =	sst s0;
	s0 =	simm.s32 @!p1 $0x0  }
0x14: {  	s2 =	sld [smem:$0x3F9C];
	s0 =	simm.s32 @p1 $0x1  }
0x15: {  	[smem:$0x3FB9] =	sst s0;
	s0 =	simm.s32 @!p2 $0x0  }
0x16: {  	s3 =	sld [smem:$0x3FDB];
	s0 =	simm.s32 @p2 $0x1  }
0x17: {  	s4 =	simm.s32 $0x1BF5;
	[smem:$0x3FBB] =	sst s0  }
0x18: {  	s0 =	sld [smem:$0x3F9E];
	_ =	swait.ge [sflag:s4], $0x0  }
0x19: {  	s7 =	sld [smem:$0x3F9F]  }
0x1a: {  	s8 =	sadd.s32 $0xFFFFE003, lr  }
0x1b: {  	s9 =	sadd.s32 $0xFFFFFEF7, lr;
	s5 =	simm.s32 $0xFFFFFFFF;
	p2 =	slt.u32 s8, $0xFFFFF086  }
0x1c: {  	p1 =	slt.u32 s9, $0xF7A;
	s5 =	simm.s32 @!p2 $0x0  }
0x1d: {  	s5 =	simm.s32 @p1 $0x1;
	p0 =	seq.s32 s7, s2  }
0x1e: {  	s7 =	smul.u32 @!p0 $0xF7A, s2;
	p2 =	seq.s32 @!p0 s5, $0x0  }
0x1f: {  	s9 =	smul.u32 $0xF7A, s1;
	s8 =	simm.s32 @!p0 $0x1BF5;
	p2 =	por !p2, p0  }
0x20: {  	[sflag:s8] =	ssyncset.s32 @!p0 $0xFFFFF086;
	s6 =	sadd.s32 @!p0 s3, s7;
	s7 =	simm.s32 @!p0 $0x108  }
0x21: {  	s3 =	sadd.s32 s3, s9;
	s6 =	sadd.s32 @!p0 $0x88, s6;
	s7 =	simm.s32 @p2 $0x1082  }
0x22: {  	[simem:s7], [sflag:s8] =	dma.local @!p0 [hbm:s6], $0xF7A  }
0x23: {  	s9 =	sor.u32 $0xD0000000, s2;
	s6 =	simm.s32 $0x108;
	_ =	swait.ge @!p0 [sflag:s8], $0x0  }
0x24: {  	s3 =	sadd.s32 $0x88, s3;
	s6 =	simm.s32 @!p1 $0x1082;
	[sflag:s4] =	ssyncset.s32 $0xFFFFF086  }
0x25: {  	[simem:s6], [sflag:s4] =	dma.local [hbm:s3], $0xF7A  }
0x26: {  	[smem:$0x3F9F] =	sst s1;
	(tag) =	ssettag s2;
	_ =	strace s9  }
0x27: {  	s1 =	sld [smem:$0x3FAF]  }
0x28: {  	s2 =	sld [smem:$0x3FB0]  }
0x29: {  	s4 =	sld [smem:$0x3FB2]  }
0x2a: {  	p0 =	seq.s32 s5, $0x0;
	s5 =	sld [smem:$0x3FB3]  }
0x2b: {  	s6 =	sld [smem:$0x3FB4]  }
0x2c: {  	s7 =	sld [smem:$0x3FB5]  }
0x2d: {  	s3 =	simm.s32 $0x108;
	s8 =	sld [smem:$0x3FB6]  }
0x2e: {  	s3 =	simm.s32 @!p0 $0x1082;
	s9 =	sld [smem:$0x3FB7]  }
0x2f: {  	lr =	sadd.s32 s0, s3;
	s0 =	sld [smem:$0x3FAE]  }
0x30: {  	s3 =	sld [smem:$0x3FB1]  }
0x31: {  	[smem:$0x3FBA] =	sst s10  }
0x32: {  	s10 =	sld [smem:$0x3FB8];
	_ =	sdelay $0x3  }
0x33: {  	p0 =	seq.s32 s10, $0x1;
	s10 =	sld [smem:$0x3FBA];
	_ =	sdelay $0x3  }
0x34: {  	[smem:$0x3FBA] =	sst s10  }
0x35: {  	s10 =	sld [smem:$0x3FB9];
	_ =	sdelay $0x3  }
0x36: {  	p1 =	seq.s32 s10, $0x1;
	s10 =	sld [smem:$0x3FBA];
	_ =	sdelay $0x3  }
0x37: {  	[smem:$0x3FBA] =	sst s10  }
0x38: {  	s10 =	sld [smem:$0x3FBB]  }
0x39: {  	_ = 	snop;
	(pc) =	sbr.ind lr, $3  }
0x3a: {  	_ = 	snop  }
0x3b: {  	_ = 	snop  }
0x3c: {  	p2 =	seq.s32 s10, $0x1;
	s10 =	sld [smem:$0x3FBA]  }
0x3d: {  	_ =	shalt  }
0x3e: {  	_ =	shalt  }
0x3f: {  	_ =	shalt  }
0x40: {  	_ =	shalt  }
0x41: {  	_ =	shalt  }
0x42: {  	_ =	shalt  }
0x43: {  	_ =	shalt  }
0x44: {  	_ =	shalt  }
0x45: {  	_ =	shalt  }
0x46: {  	_ =	shalt  }
0x47: {  	_ =	shalt  }
0x48: {  	_ =	shalt  }
0x49: {  	_ =	shalt  }
0x4a: {  	_ =	shalt  }
0x4b: {  	_ =	shalt  }
0x4c: {  	_ =	shalt  }
0x4d: {  	_ =	shalt  }
0x4e: {  	_ =	shalt  }
0x4f: {  	_ =	shalt  }
0x50: {  	_ =	shalt  }
0x51: {  	_ =	shalt  }
0x52: {  	_ =	shalt  }
0x53: {  	_ =	shalt  }
0x54: {  	_ =	shalt  }
0x55: {  	_ =	shalt  }
0x56: {  	_ =	shalt  }
0x57: {  	_ =	shalt  }
0x58: {  	_ =	shalt  }
0x59: {  	_ =	shalt  }
0x5a: {  	_ =	shalt  }
0x5b: {  	_ =	shalt  }
0x5c: {  	_ =	shalt  }
0x5d: {  	_ =	shalt  }
0x5e: {  	_ =	shalt  }
0x5f: {  	_ =	shalt  }
0x60: {  	_ =	shalt  }
0x61: {  	_ =	shalt  }
0x62: {  	_ =	shalt  }
0x63: {  	_ =	shalt  }
0x64: {  	_ =	shalt  }
0x65: {  	_ =	shalt  }
0x66: {  	_ =	shalt  }
0x67: {  	_ =	shalt  }
0x68: {  	_ =	shalt  }
0x69: {  	_ =	shalt  }
0x6a: {  	_ =	shalt  }
0x6b: {  	_ =	shalt  }
0x6c: {  	_ =	shalt  }
0x6d: {  	_ =	shalt  }
0x6e: {  	_ =	shalt  }
0x6f: {  	_ =	shalt  }
0x70: {  	_ =	shalt  }
0x71: {  	_ =	shalt  }
0x72: {  	_ =	shalt  }
0x73: {  	_ =	shalt  }
0x74: {  	_ =	shalt  }
0x75: {  	_ =	shalt  }
0x76: {  	_ =	shalt  }
0x77: {  	_ =	shalt  }
0x78: {  	_ =	shalt  }
0x79: {  	_ =	shalt  }
0x7a: {  	_ =	shalt  }
0x7b: {  	_ =	shalt  }
0x7c: {  	_ =	shalt  }
0x7d: {  	_ =	shalt  }
0x7e: {  	_ =	shalt  }
0x7f: {  	_ =	shalt  }
0x80: {  	_ =	shalt  }
0x81: {  	_ =	shalt  }
0x82: {  	_ =	shalt  }
0x83: {  	_ =	shalt  }
0x84: {  	_ =	shalt  }
0x85: {  	_ =	shalt  }
0x86: {  	_ =	shalt  }
0x87: {  	_ =	shalt  }
.Lfunc_end0:
.L_simem_size_0:
called_computation_lowered:
.L_overlay_start_0:
0x88: {  	s2 =	sld [smem:$0x3FD9]  }
0x89: {  	s3 =	sld [smem:$0x3FFE];
	_ =	sdelay $0x1  }
0x8a: {  	s1 =	srdreg.scid  }
0x8b: {  	s0 =	sand.u32 $0x1, s1  }
0x8c: {  	s18 =	sshll.u32 s0, $0xA;
	s2 =	sadd.s32 s3, s2  }
0x8d: {  	s2 =	sadd.s32 s2, s18  }
0x8e: {  	[smem:$0x3FC6] =	sst s2  }
0x8f: {  	_ = 	snop  }
0x90: {  	s2 =	sld [smem:$0x3FC9]  }
0x91: {  	s19 =	sld [smem:$0x3FC8]  }
0x92: {  	s4 =	sld [smem:$0x3FD0];
	(tm) =	ssettm $0x1  }
0x93: {  	s5 =	sld [smem:$0x3FFB];
	_ =	sdelay $0x3  }
0x94: {  	_ =	strace s5  }
0x95: {  	s5 =	sld [smem:$0x3FFC];
	_ =	sdelay $0x3  }
0x96: {  	_ =	strace s5  }
0x97: {  	s5 =	sld [smem:$0x3FFD];
	_ =	sdelay $0x3  }
0x98: {  	_ =	strace s5  }
0x99: {  	_ =	strace $0x8FFFFFFF  }
0x9a: {  	s20 =	sld [smem:$0x3FDB];
	_ =	sdelay $0x1  }
0x9b: {  	s6 =	simm.s32 $_scs_section_size  }
0x9c: {  	s7 =	simm.s32 $_size__tile_overlayer_lowered;
	s8 =	simm.s32 $_tile_overlayer_lowered  }
0x9d: {  	s23 =	simm.s32 $0x1BFF;
	s22 =	sshll.u32 s8, $0x1;
	s5 =	sadd.s32 s6, s20  }
0x9e: {  	s9 =	simm.s32 $0x0;
	s21 =	sshll.u32 s7, $0x1;
	s7 =	sadd.s32 s22, s5  }
0x9f: {  	[timem:s9], [sflag:s23] =	dma.local [hbm:s7], s21  }
0xa0: {  	_ =	swait.ge [sflag:s23], s21  }
0xa1: {  	s6 =	ssub.s32 $0x0, s21;
	[sflag:s23] =	ssyncset.done $0x0  }
0xa2: {  	[sflag:s23] =	ssyncadd.s32 s6;
	_ =	sdelay $0x1  }
0xa3: {  	s24 =	simm.s32 $0x1B8B  }
0xa4: {  	_ =	swait.ge [sflag:s24], $0x1  }
0xa5: {  	[sflag:s24] =	ssyncset.done $0x0  }
0xa6: {  	s25 =	simm.s32 $0x1B8E;
	[sflag:s24] =	ssyncadd.s32 $0xFFFFFFFF  }
0xa7: {  	s26 =	simm.s32 $execute0_lowered;
	[smem:$0x3FD2] =	sst s25  }
0xa8: {  	s6 =	sshll.u32 s26, $0x1;
	_ =	strace $0x80000046;
	[dreg:$0x1] =	wrdreg $0xFFFFFFFF  }
0xa9: {  	s28 =	simm.s32 $_size_execute0_lowered;
	s5 =	sadd.s32 s5, s6;
	[dreg:$0x0] =	wrdreg $0x0  }
0xaa: {  	s6 =	sshll.u32 s28, $0x1;
	[dreg:$0x2] =	wrdreg s5  }
0xab: {  	[dreg:$0x3] =	wrdreg s6  }
0xac: {  	[dreg:$0x4] =	wrdreg $0xC0  }
0xad: {  	_ =	task [dreg:s9], $0x5FFFF  }
0xae: {  	[dreg:$0x1] =	wrdreg $0xFFFFFFFF  }
0xaf: {  	[dreg:$0x0] =	wrdreg $0x60  }
0xb0: {  	[dreg:$0x2] =	wrdreg s19  }
0xb1: {  	[dreg:$0x3] =	wrdreg s2  }
0xb2: {  	[dreg:$0x4] =	wrdreg s4  }
0xb3: {  	[dreg:$0x5] =	wrdreg $0x9  }
0xb4: {  	_ =	task.clear_ibuf [dreg:s9], $0x6FFFF;
	_ =	strace $0x90000046  }
0xb5: {  	s29 =	simm.s32 $0x9;
	_ =	strace $0x80000048  }
0xb6: {  	_ =	swait.ge [sflag:s29], $0x1  }
0xb7: {  	[sflag:s29] =	ssyncadd.s32 $0xFFFFFFFF  }
0xb8: {  	_ =	strace $0x90000048  }
0xb9: {  	_ =	sfence  }
0xba: {  	s30 =	sld [smem:$0x0];
	_ =	sdelay $0x2  }
0xbb: {  	s31 =	sshll.u32 s1, $0xD;
	s1 =	sshrl.u32 s1, $0x2  }
0xbc: {  	s3 =	sand.u32 $0x4000, s31;
	s1 =	sadd.s32 s1, s30  }
0xbd: {  	s0 =	sor.u32 s3, s0;
	s1 =	sshll.u32 s1, $0x11  }
0xbe: {  	s0 =	sor.u32 s1, s0  }
0xbf: {  	s0 =	sadd.s32 $0x8F2B, s0  }
0xc0: {  	[sflag:s0] =	ssyncadd.remote.s32 $0x1  }
0xc1: {  	_ =	sfence.sel $0xFFFF  }
0xc2: {  	[dreg:$0x0] =	wrdreg $0xFFFFFFFF;
	(pc) =	sbr.abs _section_cstart, $3  }
0xc3: {  	[dreg:$0x1] =	wrdreg $0xFFFFFFFF  }
0xc4: {  	_ =	task.clear_ibuf [dreg:s9], $0x2FFFF;
	_ =	strace $0x9FFFFFFF  }
0xc5: {  	(tm) =	ssettm $0x7FFFFFFF  }
tec
execute0_lowered:
.L_overlay_start_1:
0x0: {  	(tag) =	ssettag $0x1  }
0x1: {  	s0 =	rddreg [dreg:$0x1]  }
0x2: {  	s1 =	rddreg [dreg:$0x2];
	s2 =	srdreg.scid  }
0x3: {  	s3 =	simm.s32 $0x0;
	s5 =	stileid.u32;
	s2 =	sand.u32 $0x1, s2  }
0x4: {  	s5 =	sshll.u32 s5, $0xA;
	s4 =	ssub.s32 $0x2, s2;
	s2 =	sshll.u32 s2, $0x9  }
0x5: {  	[smem:$0x7FF] =	sst s3;
	s2 =	sor.u32 s2, s5  }
0x6: {  	_ =	strace $0x80000047;
	s5 =	sadd.s32 s0, s2;
	s19 =	sor.u32 $0xC000, s2  }
0x7: {  	s7 =	sor.u32 $0x18000, s2;
	s2 =	sadd.s32 s1, s2;
	[dreg:$0x4] =	wrdreg s5  }
0x8: {  	s20 =	sadd.s32 s0, s19;
	[dreg:$0x6] =	wrdreg s2  }
0x9: {  	v0 =	vimm.s32 $0x76543210;
	v1 =	vimm.s32 $0x83828180;
	vm0 =	vcmask $0xF00;
	s0 =	sadd.s32 s0, s7;
	[dreg:$0x5] =	wrdreg s20  }
0xa: {  	v2 =	vimm.s32 $0x109;
	vm7 =	vcmask $0x300;
	v3 =	vimm.s32 $0x87868584;
	s21 =	sadd.s32 $0x1C000, s2;
	[dreg:$0x7] =	wrdreg s0  }
0xb: {  	vm8 =	vcmask $0x704;
	vm9 =	vcmask $0xB08;
	vm1 =	vcmask $0x1F10;
	s22 =	sadd.s32 $0x38000, s2;
	[dreg:$0x8] =	wrdreg s21  }
0xc: {  	vm10 =	vcmask $0xF0C;
	vm11 =	vcmask $0x1310;
	v2 =	vsel vm7, $0x100, v2;
	s23 =	sadd.s32 s1, s19;
	[dreg:$0x9] =	wrdreg s22  }
0xd: {  	vm12 =	vcmask $0x1714;
	vm13 =	vcmask $0x1F00;
	v2 =	vsel vm8, $0x101, v2;
	s24 =	sadd.s32 $0x28000, s2;
	[dreg:$0xa] =	wrdreg s23  }
0xe: {  	vm14 =	vcmask $0x1B18;
	v0 =	vunpack.c.l.s4.s8 v0;
	v2 =	vsel vm9, $0x102, v2;
	s25 =	sadd.s32 $0x44000, s2;
	[dreg:$0xb] =	wrdreg s24  }
0xf: {  	vm2 =	vcmask $0x2320;
	v1 =	vunpack.c.0.s8.s32 v1;
	v2 =	vsel vm10, $0x103, v2;
	s26 =	sadd.s32 s1, s7;
	[dreg:$0xc] =	wrdreg s25  }
0x10: {  	v3 =	vunpack.c.0.s8.s32 v3;
	s6 =	sshrl.u32 s4, $0x1;
	v0 =	vunpack.c.0.s8.s32 v0;
	s29 =	sadd.s32 $0x34000, s2;
	v2 =	vsel vm11, $0x104, v2;
	[dreg:$0xd] =	wrdreg s26  }
0x11: {  	vm15 =	vcmask $0x1F1C;
	v1 =	vnsel vm0, $0x89, v1;
	s4 =	ssub.s32 s4, s6;
	s30 =	sadd.s32 $0x50000, s2;
	[dreg:$0xe] =	wrdreg s29;
	v2 =	vsel vm12, $0x105, v2  }
0x12: {  	s17 =	simm.s32 $0x1000;
	v1 =	vsel vm1, v3, v1;
	s31 =	smax.u32 s4, $0x1;
	v0 =	vand.u32 $0xF, v0;
	[dreg:$0xf] =	wrdreg s30;
	v2 =	vsel vm14, $0x106, v2  }
0x13: {  	s18 =	simm.s32 $0x20000;
	s28 =	simm.s32 $0x2;
	v1 =	vsel vm2, $0x88, v1;
	[dreg:$0x10] =	wrdreg s31;
	v0 =	vnsel vm13, $0x9, v0;
	v2 =	vsel vm15, $0x107, v2  }
0x14: {  	s0 =	simm.s32 $0x3;
	v1 =	vand.u32 $0xFF, v1;
	s20 =	simm.s32 $0x4;
	s21 =	simm.s32 $0x0;
	v0 =	vsel vm2, $0x8, v0;
	v2 =	vsel vm2, $0x108, v2  }
.LBB2_1:
0x15: {  	s1 =	rddreg [dreg:$0x4];
	s2 =	simm.s32 $0x200  }
0x16: {  	[tilespmem:s2], [sflag:$0x1] =	stream.strided.gather [hbm4b:s1+s17], $0x3000, s18, s17, $0x38;
	[tilespmem:$0x1C200] =	vst v63  }
0x17: {  	s9 =	rddreg [dreg:$0x5];
	s10 =	simm.s32 $0x3200  }
0x18: {  	[tilespmem:s10], [sflag:$0x2] =	stream.strided.gather [hbm4b:s9+s17], $0x3000, s18, s17, $0x38;
	[tilespmem:$0x1C200] =	vst v63  }
0x19: {  	s11 =	rddreg [dreg:$0x7];
	s12 =	simm.s32 $0x6200  }
0x1a: {  	[tilespmem:s12], [sflag:$0x3] =	stream.linear.gather [hbm4b:s11+s3], $0x1000, $0x38;
	[tilespmem:$0x1C200] =	vst v63  }
0x1b: {  	s13 =	rddreg [dreg:$0x0];
	s14 =	simm.s32 $0x5  }
0x1c: {  	[tilespmem:s3], [sflag:$0x5] =	stream.linear.gather [hbm4b:s13+s3], $0x180, $0x38;
	[tilespmem:$0x1C200] =	vst v63  }
0x1d: {  	_ =	swait.ge [sflag:s14], $0x180  }
0x1e: {  	[sflag:s14] =	ssyncset.done $0x0  }
0x1f: {  	[sflag:s14] =	ssyncadd.s32 $0xFFFFFE80  }
0x20: {  	s6 =	simm.s32 $0x1;
	s15 =	simm.s32 $0x0;
	s16 =	sand.u32 $0xC00, s3;
	v5 =	vld.idx.msk [tilespmem:v0+s3+$0x0], $0xffff  }
0x21: {  	s4 =	simm.s32 $0x0;
	s5 =	sand.u32 $0x40, s3;
	s1 =	sand.u32 $0x3000, s15;
	v3 =	vld.idx.msk [tilespmem:v1+s3+$0x0], $0xffff  }
0x22: {  	s19 =	sand.u32 $0x380, s4;
	s1 =	sor.u32 s16, s1;
	v4 =	vld.idx.msk [tilespmem:v2+s3+$0x0], $0xffff;
	_ =	swait.ge [sflag:s6], $0x3000  }
0x23: {  	s22 =	sor.u32 $0x30, s5;
	s1 =	sor.u32 s19, s1;
	[sflag:s6] =	ssyncset.done $0x0  }
0x24: {  	s23 =	sor.u32 s22, s1;
	[sflag:s6] =	ssyncadd.s32 $0xFFFFD000  }
0x25: {  	s8 =	sor.u32 s5, s1;
	v6 =	vld [tilespmem:s23+$0x200]  }
0x26: {  	v7 =	vld [tilespmem:s8+$0x200]  }
0x27: {  	s7 =	sor.u32 $0x10, s5  }
0x28: {  	s9 =	sor.u32 s7, s1  }
0x29: {  	v8 =	vld [tilespmem:s9+$0x200]  }
0x2a: {  	s26 =	simm.s32 $0x40;
	s10 =	sor.u32 $0x20, s5;
	v6 =	vand.u32 $0xF, v6  }
0x2b: {  	s19 =	sadd.s32 $0xE200, s1;
	s11 =	simm.s32 $0x40;
	s12 =	simm.s32 $0x200;
	v7 =	vand.u32 $0xF, v7;
	v9 =	vperm.xlane v5, v6  }
0x2c: {  	s15 =	sadd.s32 $0x15200, s1;
	s24 =	sand.u32 $0x40, s11;
	s25 =	sand.u32 $0xC00, s12;
	v11 =	vperm.xlane v5, v7  }
0x2d: {  	s12 =	sand.u32 $0x3000, s26;
	s13 =	sor.u32 s10, s1;
	s14 =	simm.s32 $0x10;
	v10 =	vperm.xlane v3, v6;
	[tilespmem:s23+$0x7200] =	vst v9  }
0x2e: {  	s12 =	sor.u32 s25, s12;
	s14 =	sand.u32 $0x380, s14;
	s6 =	sor.u32 s22, s19;
	v8 =	vand.u32 $0xF, v8;
	v6 =	vperm.xlane v4, v6;
	v9 =	vld [tilespmem:s13+$0x200];
	[tilespmem:s8+$0x7200] =	vst v11  }
0x2f: {  	s2 =	sor.u32 s22, s15;
	s26 =	sor.u32 $0x30, s24;
	s1 =	sor.u32 s14, s12;
	[tilespmem:s6+$0x0] =	vst v10;
	v10 =	vperm.xlane v5, v8  }
0x30: {  	s4 =	sor.u32 s26, s1;
	[tilespmem:s2+$0x0] =	vst v6;
	v6 =	vperm.xlane v3, v7  }
0x31: {  	s16 =	sor.u32 s5, s19;
	v11 =	vld [tilespmem:s4+$0x200];
	v7 =	vperm.xlane v4, v7;
	[tilespmem:s9+$0x7200] =	vst v10  }
0x32: {  	s30 =	sor.u32 $0x10, s24;
	s22 =	sor.u32 s5, s15;
	s31 =	sor.u32 s24, s1;
	v10 =	vperm.xlane v3, v8;
	[tilespmem:s16+$0x0] =	vst v6  }
0x33: {  	s25 =	sor.u32 $0x20, s24;
	s23 =	sor.u32 s7, s19;
	s2 =	sor.u32 s30, s1;
	v8 =	vperm.xlane v4, v8;
	v6 =	vand.u32 $0xF, v9;
	[tilespmem:s22+$0x0] =	vst v7;
	v9 =	vld [tilespmem:s31+$0x200]  }
0x34: {  	s29 =	sor.u32 s25, s1;
	s7 =	sor.u32 s7, s15;
	[tilespmem:s23+$0x0] =	vst v10;
	v7 =	vld [tilespmem:s2+$0x200];
	v12 =	vperm.xlane v5, v6  }
0x35: {  	s11 =	sor.u32 s10, s19;
	s10 =	sor.u32 s10, s15;
	[tilespmem:s7+$0x0] =	vst v8;
	v10 =	vperm.xlane v3, v6;
	v8 =	vperm.xlane v4, v6;
	v6 =	vld [tilespmem:s29+$0x200]  }
0x36: {  	s5 =	simm.s32 $0x4;
	s8 =	simm.s32 $0x400;
	v11 =	vand.u32 $0xF, v11;
	s7 =	simm.s32 $0x80;
	[tilespmem:s13+$0x7200] =	vst v12  }
.LBB2_2:
0x37: {  	s5 =	sadd.s32 $0x4, s5;
	s9 =	sand.u32 $0x40, s7  }
0x38: {  	s12 =	sand.u32 $0xC00, s8;
	v9 =	vand.u32 $0xF, v9;
	v12 =	vperm.xlane v5, v11;
	[tilespmem:s11+$0x0] =	vst v10;
	s14 =	sadd.s32 $0xE200, s1;
	s15 =	sadd.s32 $0x15200, s1  }
0x39: {  	v13 =	vperm.xlane v3, v11;
	s11 =	sshll.u32 s5, $0x4;
	s13 =	sshll.u32 s5, $0x2;
	v10 =	vperm.xlane v5, v9;
	v7 =	vand.u32 $0xF, v7;
	[tilespmem:s10+$0x0] =	vst v8;
	s1 =	sor.u32 s26, s14  }
0x3a: {  	v14 =	vperm.xlane v3, v9;
	v8 =	vperm.xlane v4, v11;
	s16 =	sor.u32 s30, s15;
	p0 =	slt.u32 s5, $0x2FC;
	s10 =	sand.u32 $0x3000, s11;
	v6 =	vand.u32 $0xF, v6;
	[tilespmem:s4+$0x7200] =	vst v12  }
0x3b: {  	v11 =	vperm.xlane v4, v9;
	v9 =	vperm.xlane v5, v7;
	s11 =	sor.u32 s26, s15;
	s4 =	sor.u32 s12, s10;
	s10 =	sand.u32 $0x380, s13;
	[tilespmem:s1+$0x0] =	vst v13  }
0x3c: {  	s26 =	sor.u32 $0x30, s9;
	v12 =	vperm.xlane v3, v7;
	s12 =	sor.u32 $0x10, s9;
	v13 =	vperm.xlane v4, v7;
	s1 =	sor.u32 s10, s4;
	[tilespmem:s11+$0x0] =	vst v8  }
0x3d: {  	s13 =	sor.u32 $0x20, s9;
	v15 =	vperm.xlane v5, v6;
	s4 =	sor.u32 s26, s1;
	[tilespmem:s31+$0x7200] =	vst v10;
	s31 =	sor.u32 s9, s1;
	v10 =	vperm.xlane v3, v6  }
0x3e: {  	s10 =	sor.u32 s24, s14;
	v8 =	vperm.xlane v4, v6;
	s19 =	sor.u32 s13, s1;
	v16 =	vld [tilespmem:s4+$0x200];
	[tilespmem:s2+$0x7200] =	vst v9;
	s2 =	sor.u32 s12, s1  }
.Ltmp0:
0x3f: {  	v9 =	vld [tilespmem:s31+$0x200];
	[tilespmem:s10+$0x0] =	vst v14;
	s10 =	sor.u32 s24, s15;
	s24 =	sor.u32 s30, s14;
	(pc) =	sbr.rel @p0 .LBB2_2-.Ltmp0, $4  }
0x40: {  	s11 =	sor.u32 s25, s14;
	v7 =	vld [tilespmem:s2+$0x200];
	[tilespmem:s10+$0x0] =	vst v11;
	s10 =	sor.u32 s25, s15  }
0x41: {  	s30 =	smov.u32 s12;
	s25 =	smov.u32 s13;
	v6 =	vld [tilespmem:s19+$0x200];
	[tilespmem:s24+$0x0] =	vst v12;
	s24 =	smov.u32 s9  }
0x42: {  	[tilespmem:s16+$0x0] =	vst v13  }
0x43: {  	s7 =	sadd.s32 $0x40, s7;
	s8 =	sadd.s32 $0x200, s8;
	v11 =	vand.u32 $0xF, v16;
	[tilespmem:s29+$0x7200] =	vst v15;
	s29 =	smov.u32 s19  }
0x44: {  	v12 =	vperm.xlane v5, v11;
	[tilespmem:s11+$0x0] =	vst v10  }
0x45: {  	s5 =	sadd.s32 $0xE200, s1;
	v10 =	vperm.xlane v3, v11;
	[tilespmem:s10+$0x0] =	vst v8  }
0x46: {  	s16 =	sadd.s32 $0x15200, s1;
	v8 =	vand.u32 $0xF, v9;
	s19 =	sor.u32 s26, s5;
	v9 =	vperm.xlane v4, v11;
	[tilespmem:s4+$0x7200] =	vst v12  }
0x47: {  	v7 =	vand.u32 $0xF, v7;
	s22 =	sor.u32 s26, s16;
	v11 =	vperm.xlane v5, v8;
	[tilespmem:s19+$0x0] =	vst v10  }
0x48: {  	v10 =	vperm.xlane v5, v7;
	[tilespmem:s22+$0x0] =	vst v9  }
0x49: {  	v9 =	vperm.xlane v3, v8;
	[tilespmem:s31+$0x7200] =	vst v11  }
0x4a: {  	s23 =	sor.u32 s24, s5;
	v8 =	vperm.xlane v4, v8;
	[tilespmem:s2+$0x7200] =	vst v10  }
0x4b: {  	s24 =	sor.u32 s24, s16;
	v10 =	vperm.xlane v3, v7;
	[tilespmem:s23+$0x0] =	vst v9  }
0x4c: {  	s26 =	sor.u32 s30, s5;
	v6 =	vand.u32 $0xF, v6;
	v7 =	vperm.xlane v4, v7;
	[tilespmem:s24+$0x0] =	vst v8  }
0x4d: {  	s6 =	sor.u32 s30, s16;
	v8 =	vperm.xlane v5, v6;
	[tilespmem:s26+$0x0] =	vst v10  }
0x4e: {  	v9 =	vperm.xlane v3, v6;
	[tilespmem:s6+$0x0] =	vst v7  }
0x4f: {  	s7 =	sor.u32 s25, s5;
	v6 =	vperm.xlane v4, v6;
	[tilespmem:s29+$0x7200] =	vst v8  }
0x50: {  	s8 =	simm.s32 $0x7200;
	s1 =	sor.u32 s25, s16;
	[tilespmem:s7+$0x0] =	vst v9  }
0x51: {  	s12 =	simm.s32 $0x15200;
	s13 =	simm.s32 $0x0;
	s14 =	simm.s32 $0x0;
	[tilespmem:s1+$0x0] =	vst v6  }
0x52: {  	s15 =	simm.s32 $0x0;
	s10 =	simm.s32 $0xE200;
	s1 =	rddreg [dreg:$0x6]  }
0x53: {  	[hbm4b:s1+s17] =	stream.strided.scatter [tilespmem:s8], [sflag:$0x4], $0x3000, s18, s17, $0x38;
	[tilespmem:$0x1C200] =	vst v63  }
0x54: {  	s16 =	sand.u32 $0xC00, s13;
	s2 =	sand.u32 $0x3000, s14;
	s9 =	rddreg [dreg:$0x8]  }
0x55: {  	[hbm4b:s9+s17] =	stream.strided.scatter [tilespmem:s10], [sflag:$0x4], $0x3000, s18, s17, $0x38;
	[tilespmem:$0x1C200] =	vst v63  }
0x56: {  	s4 =	sand.u32 $0x380, s15;
	s2 =	sor.u32 s16, s2;
	s11 =	rddreg [dreg:$0x9]  }
0x57: {  	[hbm4b:s11+s17] =	stream.strided.scatter [tilespmem:s12], [sflag:$0x4], $0x3000, s18, s17, $0x38;
	[tilespmem:$0x1C200] =	vst v63  }
0x58: {  	s2 =	sor.u32 s4, s2;
	_ =	swait.ge [sflag:s28], $0x3000  }
0x59: {  	s4 =	sadd.s32 $0x3000, s2;
	s1 =	sand.u32 $0x40, s13;
	[sflag:s28] =	ssyncset.done $0x0  }
0x5a: {  	s19 =	sor.u32 $0x10, s1;
	s7 =	sor.u32 s1, s4;
	[sflag:s28] =	ssyncadd.s32 $0xFFFFD000  }
0x5b: {  	s8 =	sor.u32 s19, s4;
	v6 =	vld [tilespmem:s7+$0x200]  }
0x5c: {  	v7 =	vld [tilespmem:s8+$0x200]  }
0x5d: {  	s15 =	simm.s32 $0x40;
	s9 =	sor.u32 $0x20, s1  }
0x5e: {  	s15 =	sand.u32 $0x3000, s15;
	s23 =	sor.u32 s9, s4  }
0x5f: {  	s16 =	simm.s32 $0x10;
	s24 =	simm.s32 $0x200;
	s26 =	simm.s32 $0x40;
	v8 =	vld [tilespmem:s23+$0x200]  }
0x60: {  	s16 =	sand.u32 $0x380, s16;
	s22 =	sor.u32 $0x30, s1;
	s10 =	sand.u32 $0x40, s26;
	v6 =	vand.u32 $0xF, v6  }
0x61: {  	s4 =	sor.u32 s22, s4;
	s12 =	sadd.s32 $0x11200, s2;
	s2 =	sadd.s32 $0x18200, s2;
	v7 =	vand.u32 $0xF, v7;
	v9 =	vperm.xlane v5, v6  }
0x62: {  	s14 =	sor.u32 s19, s12;
	s5 =	sor.u32 s19, s2;
	s19 =	sand.u32 $0xC00, s24;
	v10 =	vld [tilespmem:s4+$0x200];
	v11 =	vperm.xlane v5, v7  }
0x63: {  	s6 =	sor.u32 $0x30, s10;
	s11 =	simm.s32 $0x4;
	s15 =	sor.u32 s19, s15;
	[tilespmem:s7+$0x7200] =	vst v9;
	v9 =	vperm.xlane v3, v7  }
0x64: {  	s13 =	sor.u32 s1, s12;
	s1 =	sor.u32 s1, s2;
	s16 =	sor.u32 s16, s15;
	v12 =	vand.u32 $0xF, v8;
	[tilespmem:s8+$0x7200] =	vst v11;
	v7 =	vperm.xlane v4, v7  }
0x65: {  	s29 =	sor.u32 s9, s12;
	s12 =	sor.u32 s22, s12;
	v8 =	vperm.xlane v5, v12;
	s8 =	sadd.s32 $0x3000, s16;
	[tilespmem:s14+$0x0] =	vst v9  }
0x66: {  	s30 =	sor.u32 s22, s2;
	s15 =	sor.u32 $0x10, s10;
	v9 =	vperm.xlane v3, v6;
	[tilespmem:s5+$0x0] =	vst v7;
	s5 =	sor.u32 s10, s8  }
0x67: {  	s22 =	sor.u32 $0x20, s10;
	s7 =	sor.u32 s9, s2;
	[tilespmem:s23+$0x7200] =	vst v8;
	s19 =	sor.u32 s15, s8;
	v6 =	vperm.xlane v4, v6;
	v7 =	vand.u32 $0xF, v10;
	v8 =	vld [tilespmem:s5+$0x200]  }
0x68: {  	s23 =	sadd.s32 $0x11200, s16;
	s16 =	sadd.s32 $0x18200, s16;
	s25 =	sor.u32 s22, s8;
	v10 =	vld [tilespmem:s19+$0x200];
	v11 =	vperm.xlane v5, v7;
	[tilespmem:s13+$0x0] =	vst v9  }
0x69: {  	s31 =	sor.u32 s6, s8;
	s2 =	sor.u32 s10, s23;
	s9 =	sor.u32 s15, s23;
	v13 =	vperm.xlane v3, v7;
	v9 =	vld [tilespmem:s25+$0x200];
	[tilespmem:s1+$0x0] =	vst v6  }
0x6a: {  	s14 =	sor.u32 s6, s16;
	s8 =	sor.u32 s15, s16;
	s13 =	sor.u32 s6, s23;
	[tilespmem:s4+$0x7200] =	vst v11;
	v11 =	vperm.xlane v4, v7  }
0x6b: {  	v6 =	vperm.xlane v3, v12;
	s1 =	sor.u32 s10, s16;
	s10 =	sor.u32 s22, s23;
	v12 =	vperm.xlane v4, v12;
	s4 =	sor.u32 s22, s16;
	v7 =	vld [tilespmem:s31+$0x200];
	[tilespmem:s12+$0x0] =	vst v13  }
.LBB2_4:
0x6c: {  	s11 =	sadd.s32 $0x4, s11;
	v13 =	vand.u32 $0xF, v8;
	[tilespmem:s30+$0x0] =	vst v11;
	s12 =	smov.u32 s13;
	s30 =	smov.u32 s14  }
0x6d: {  	s24 =	sadd.s32 $0x200, s24;
	s13 =	sshll.u32 s11, $0x4;
	s14 =	sshll.u32 s11, $0x2;
	v8 =	vperm.xlane v5, v13;
	v10 =	vand.u32 $0xF, v10;
	[tilespmem:s29+$0x0] =	vst v6  }
0x6e: {  	s15 =	sand.u32 $0xC00, s24;
	p0 =	slt.u32 s11, $0x2FC;
	v14 =	vperm.xlane v3, v13;
	s13 =	sand.u32 $0x3000, s13;
	v6 =	vperm.xlane v5, v10;
	v15 =	vand.u32 $0xF, v9;
	[tilespmem:s7+$0x0] =	vst v12  }
0x6f: {  	s26 =	sadd.s32 $0x40, s26;
	s7 =	sand.u32 $0x380, s14;
	s13 =	sor.u32 s15, s13;
	[tilespmem:s5+$0x7200] =	vst v8;
	v8 =	vperm.xlane v3, v10;
	v9 =	vperm.xlane v5, v15  }
0x70: {  	s29 =	smov.u32 s10;
	s14 =	sand.u32 $0x40, s26;
	v10 =	vperm.xlane v4, v10;
	s7 =	sor.u32 s7, s13;
	[tilespmem:s19+$0x7200] =	vst v6;
	v6 =	vperm.xlane v3, v15;
	v7 =	vand.u32 $0xF, v7  }
0x71: {  	s15 =	sor.u32 $0x30, s14;
	s13 =	sor.u32 $0x10, s14;
	s10 =	sadd.s32 $0x3000, s7;
	[tilespmem:s9+$0x0] =	vst v8;
	v12 =	vperm.xlane v5, v7  }
0x72: {  	s16 =	sor.u32 $0x20, s14;
	v16 =	vperm.xlane v3, v7;
	s5 =	sor.u32 s14, s10;
	s19 =	sor.u32 s13, s10;
	[tilespmem:s8+$0x0] =	vst v10  }
.Ltmp1:
0x73: {  	v13 =	vperm.xlane v4, v13;
	v11 =	vperm.xlane v4, v7;
	s6 =	sor.u32 s15, s10;
	v8 =	vld [tilespmem:s5+$0x200];
	[tilespmem:s25+$0x7200] =	vst v9;
	s25 =	sor.u32 s16, s10;
	(pc) =	sbr.rel @p0 .LBB2_4-.Ltmp1, $4  }
0x74: {  	s22 =	sadd.s32 $0x11200, s7;
	s23 =	sadd.s32 $0x18200, s7;
	s7 =	smov.u32 s4;
	v10 =	vld [tilespmem:s19+$0x200];
	[tilespmem:s2+$0x0] =	vst v14  }
0x75: {  	s9 =	sor.u32 s13, s22;
	s8 =	sor.u32 s13, s23;
	s2 =	sor.u32 s14, s22;
	v9 =	vld [tilespmem:s25+$0x200];
	[tilespmem:s1+$0x0] =	vst v13  }
0x76: {  	s13 =	sor.u32 s15, s22;
	s10 =	sor.u32 s16, s22;
	s1 =	sor.u32 s14, s23;
	[tilespmem:s31+$0x7200] =	vst v12  }
0x77: {  	s4 =	sor.u32 s16, s23;
	s14 =	sor.u32 s15, s23;
	v12 =	vperm.xlane v4, v15;
	s31 =	smov.u32 s6;
	v7 =	vld [tilespmem:s6+$0x200];
	[tilespmem:s12+$0x0] =	vst v16  }
0x78: {  	v8 =	vand.u32 $0xF, v8;
	[tilespmem:s30+$0x0] =	vst v11  }
0x79: {  	[tilespmem:s29+$0x0] =	vst v6;
	v11 =	vperm.xlane v5, v8;
	v10 =	vand.u32 $0xF, v10  }
0x7a: {  	[tilespmem:s7+$0x0] =	vst v12;
	v6 =	vperm.xlane v5, v10  }
0x7b: {  	[tilespmem:s5+$0x7200] =	vst v11;
	v11 =	vperm.xlane v3, v10  }
0x7c: {  	v9 =	vand.u32 $0xF, v9;
	[tilespmem:s19+$0x7200] =	vst v6;
	v6 =	vperm.xlane v4, v10  }
0x7d: {  	v10 =	vperm.xlane v5, v9;
	[tilespmem:s9+$0x0] =	vst v11  }
0x7e: {  	v11 =	vperm.xlane v3, v8;
	[tilespmem:s8+$0x0] =	vst v6  }
0x7f: {  	v6 =	vand.u32 $0xF, v7;
	v7 =	vperm.xlane v4, v8;
	[tilespmem:s25+$0x7200] =	vst v10  }
0x80: {  	v8 =	vperm.xlane v5, v6;
	[tilespmem:s2+$0x0] =	vst v11  }
0x81: {  	v10 =	vperm.xlane v3, v6;
	[tilespmem:s1+$0x0] =	vst v7  }
0x82: {  	v7 =	vperm.xlane v3, v9;
	[tilespmem:s31+$0x7200] =	vst v8  }
0x83: {  	v6 =	vperm.xlane v4, v6;
	[tilespmem:s13+$0x0] =	vst v10  }
0x84: {  	v8 =	vperm.xlane v4, v9;
	[tilespmem:s10+$0x0] =	vst v7  }
0x85: {  	[tilespmem:s14+$0x0] =	vst v6  }
0x86: {  	[tilespmem:s4+$0x0] =	vst v8  }
0x87: {  	s11 =	simm.s32 $0xA200;
	s1 =	rddreg [dreg:$0xa]  }
0x88: {  	[hbm4b:s1+s17] =	stream.strided.scatter [tilespmem:s11], [sflag:$0x4], $0x3000, s18, s17, $0x38;
	[tilespmem:$0x1C200] =	vst v63  }
0x89: {  	s13 =	simm.s32 $0x11200;
	s12 =	rddreg [dreg:$0xb]  }
0x8a: {  	[hbm4b:s12+s17] =	stream.strided.scatter [tilespmem:s13], [sflag:$0x4], $0x3000, s18, s17, $0x38;
	[tilespmem:$0x1C200] =	vst v63  }
0x8b: {  	s15 =	simm.s32 $0x18200;
	s2 =	simm.s32 $0x0;
	s14 =	rddreg [dreg:$0xc]  }
0x8c: {  	[hbm4b:s14+s17] =	stream.strided.scatter [tilespmem:s15], [sflag:$0x4], $0x3000, s18, s17, $0x38;
	[tilespmem:$0x1C200] =	vst v63  }
0x8d: {  	s16 =	sand.u32 $0xC00, s2;
	s19 =	sand.u32 $0x80, s2;
	_ =	swait.ge [sflag:s0], $0x1000  }
0x8e: {  	s6 =	sand.u32 $0x40, s2;
	s22 =	sor.u32 s19, s16;
	[sflag:s0] =	ssyncset.done $0x0  }
0x8f: {  	s7 =	sor.u32 s6, s22;
	[sflag:s0] =	ssyncadd.s32 $0xFFFFF000  }
0x90: {  	s23 =	sor.u32 $0x30, s6;
	v8 =	vld [tilespmem:s7+$0x6200]  }
0x91: {  	s24 =	sor.u32 s23, s22  }
0x92: {  	s19 =	sor.u32 $0x10, s6;
	v6 =	vld [tilespmem:s24+$0x6200]  }
0x93: {  	s4 =	sor.u32 $0x20, s6;
	s1 =	sor.u32 s19, s22  }
0x94: {  	s26 =	sor.u32 s4, s22;
	v10 =	vld [tilespmem:s1+$0x6200]  }
0x95: {  	v11 =	vand.u32 $0xF, v8;
	v8 =	vld [tilespmem:s26+$0x6200]  }
0x96: {  	s5 =	simm.s32 $0x0;
	s9 =	simm.s32 $0x40  }
0x97: {  	s31 =	sor.u32 $0x14200, s22;
	s8 =	sor.u32 $0x1B200, s22;
	s10 =	simm.s32 $0x0;
	v7 =	vand.u32 $0xF, v6  }
0x98: {  	s30 =	sor.u32 s19, s31;
	s25 =	sor.u32 s23, s31;
	s29 =	sor.u32 s4, s31;
	v6 =	vperm.xlane v5, v7;
	v13 =	vperm.xlane v4, v7  }
0x99: {  	s11 =	sor.u32 s6, s31;
	s13 =	sor.u32 s6, s8;
	s14 =	sor.u32 s23, s8;
	v10 =	vand.u32 $0xF, v10;
	v12 =	vperm.xlane v5, v11;
	v9 =	vperm.xlane v3, v11  }
.LBB2_6:
0x9a: {  	s12 =	sand.u32 $0x40, s9;
	v11 =	vperm.xlane v4, v11;
	v14 =	vperm.xlane v5, v10;
	v8 =	vand.u32 $0xF, v8;
	[tilespmem:s14+$0x0] =	vst v13;
	s2 =	sadd.s32 $0x200, s2;
	s10 =	sadd.s32 $0x10, s10  }
0x9b: {  	s5 =	sadd.s32 $0x4, s5;
	s6 =	sand.u32 $0xC00, s2;
	s14 =	sand.u32 $0x80, s10;
	[tilespmem:s7+$0xD200] =	vst v12;
	v12 =	vperm.xlane v3, v10;
	v10 =	vperm.xlane v4, v10  }
0x9c: {  	p0 =	slt.u32 s5, $0x3C;
	v13 =	vperm.xlane v3, v8;
	s6 =	sor.u32 s14, s6;
	s14 =	sor.u32 $0x30, s12;
	[tilespmem:s11+$0x0] =	vst v9;
	v9 =	vperm.xlane v5, v8  }
0x9d: {  	v15 =	vperm.xlane v3, v7;
	s15 =	sor.u32 $0x10, s12;
	s16 =	sor.u32 $0x20, s12;
	s22 =	sor.u32 s14, s6;
	[tilespmem:s13+$0x0] =	vst v11;
	v11 =	vperm.xlane v4, v8  }
0x9e: {  	s7 =	sor.u32 s12, s6;
	s13 =	sor.u32 s16, s6;
	v7 =	vld [tilespmem:s22+$0x6200];
	[tilespmem:s1+$0xD200] =	vst v14;
	s1 =	sor.u32 s15, s6  }
0x9f: {  	s19 =	sor.u32 s19, s8;
	s8 =	sor.u32 s4, s8;
	s23 =	sor.u32 $0x14200, s6;
	v14 =	vld [tilespmem:s7+$0x6200];
	[tilespmem:s30+$0x0] =	vst v12  }
0xa0: {  	s11 =	sor.u32 s12, s23;
	s31 =	sor.u32 s16, s23;
	s30 =	sor.u32 s15, s23;
	v16 =	vld [tilespmem:s1+$0x6200];
	[tilespmem:s19+$0x0] =	vst v10  }
.Ltmp2:
0xa1: {  	s23 =	sor.u32 s14, s23;
	s19 =	smov.u32 s15;
	v8 =	vld [tilespmem:s13+$0x6200];
	[tilespmem:s26+$0xD200] =	vst v9;
	(pc) =	sbr.rel @p0 .LBB2_6-.Ltmp2, $4  }
0xa2: {  	s4 =	smov.u32 s16;
	s26 =	smov.u32 s13;
	[tilespmem:s29+$0x0] =	vst v13;
	s29 =	smov.u32 s31  }
0xa3: {  	s15 =	smov.u32 s25;
	s25 =	smov.u32 s23;
	v7 =	vand.u32 $0xF, v7;
	[tilespmem:s8+$0x0] =	vst v11  }
0xa4: {  	s8 =	sor.u32 $0x1B200, s6;
	v11 =	vand.u32 $0xF, v14;
	v13 =	vperm.xlane v4, v7;
	[tilespmem:s24+$0xD200] =	vst v6;
	v6 =	vperm.xlane v5, v7;
	s24 =	smov.u32 s22  }
0xa5: {  	s9 =	sadd.s32 $0x40, s9;
	s13 =	sor.u32 s12, s8;
	s14 =	sor.u32 s14, s8;
	v12 =	vperm.xlane v5, v11;
	v9 =	vperm.xlane v3, v11;
	v10 =	vand.u32 $0xF, v16;
	[tilespmem:s15+$0x0] =	vst v15  }
0xa6: {  	[tilespmem:s14+$0x0] =	vst v13  }
0xa7: {  	[tilespmem:s7+$0xD200] =	vst v12  }
0xa8: {  	v58 =	vperm.xlane v5, v10;
	[tilespmem:s24+$0xD200] =	vst v6  }
0xa9: {  	v11 =	vperm.xlane v4, v11;
	[tilespmem:s11+$0x0] =	vst v9  }
0xaa: {  	v59 =	vperm.xlane v3, v10;
	v8 =	vand.u32 $0xF, v8;
	[tilespmem:s1+$0xD200] =	vst v58  }
0xab: {  	v61 =	vperm.xlane v5, v8;
	[tilespmem:s13+$0x0] =	vst v11  }
0xac: {  	v62 =	vperm.xlane v3, v8;
	v3 =	vperm.xlane v3, v7;
	[tilespmem:s30+$0x0] =	vst v59  }
0xad: {  	v60 =	vperm.xlane v4, v10;
	[tilespmem:s26+$0xD200] =	vst v61  }
0xae: {  	s22 =	sor.u32 s19, s8;
	[tilespmem:s25+$0x0] =	vst v3  }
0xaf: {  	v63 =	vperm.xlane v4, v8;
	[tilespmem:s22+$0x0] =	vst v60  }
0xb0: {  	s23 =	sor.u32 s4, s8;
	[tilespmem:s29+$0x0] =	vst v62  }
0xb1: {  	[tilespmem:s23+$0x0] =	vst v63  }
0xb2: {  	s2 =	simm.s32 $0xD200;
	s1 =	rddreg [dreg:$0xd]  }
0xb3: {  	[hbm4b:s1+s3] =	stream.linear.scatter [tilespmem:s2], [sflag:$0x4], $0x1000, $0x38;
	[tilespmem:$0x1C200] =	vst v63  }
0xb4: {  	s26 =	simm.s32 $0x14200;
	s25 =	rddreg [dreg:$0xe]  }
0xb5: {  	[hbm4b:s25+s3] =	stream.linear.scatter [tilespmem:s26], [sflag:$0x4], $0x1000, $0x38;
	[tilespmem:$0x1C200] =	vst v63  }
0xb6: {  	s30 =	simm.s32 $0x1B200;
	s29 =	rddreg [dreg:$0xf]  }
0xb7: {  	[hbm4b:s29+s3] =	stream.linear.scatter [tilespmem:s30], [sflag:$0x4], $0x1000, $0x38;
	[tilespmem:$0x1C200] =	vst v63  }
0xb8: {  	_ =	swait.ge [sflag:s20], $0x3000  }
0xb9: {  	[sflag:s20] =	ssyncset.done $0x0  }
0xba: {  	[sflag:s20] =	ssyncadd.s32 $0xFFFFD000  }
0xbb: {  	_ =	swait.ge [sflag:s20], $0x3000  }
0xbc: {  	[sflag:s20] =	ssyncset.done $0x0  }
0xbd: {  	[sflag:s20] =	ssyncadd.s32 $0xFFFFD000  }
0xbe: {  	_ =	swait.ge [sflag:s20], $0x3000  }
0xbf: {  	[sflag:s20] =	ssyncset.done $0x0  }
0xc0: {  	[sflag:s20] =	ssyncadd.s32 $0xFFFFD000  }
0xc1: {  	_ =	swait.ge [sflag:s20], $0x3000  }
0xc2: {  	[sflag:s20] =	ssyncset.done $0x0  }
0xc3: {  	[sflag:s20] =	ssyncadd.s32 $0xFFFFD000  }
0xc4: {  	_ =	swait.ge [sflag:s20], $0x3000  }
0xc5: {  	[sflag:s20] =	ssyncset.done $0x0  }
0xc6: {  	[sflag:s20] =	ssyncadd.s32 $0xFFFFD000  }
0xc7: {  	_ =	swait.ge [sflag:s20], $0x3000  }
0xc8: {  	[sflag:s20] =	ssyncset.done $0x0  }
0xc9: {  	[sflag:s20] =	ssyncadd.s32 $0xFFFFD000  }
0xca: {  	_ =	swait.ge [sflag:s20], $0x1000  }
0xcb: {  	[sflag:s20] =	ssyncset.done $0x0  }
0xcc: {  	[sflag:s20] =	ssyncadd.s32 $0xFFFFF000  }
0xcd: {  	_ =	swait.ge [sflag:s20], $0x1000  }
0xce: {  	[sflag:s20] =	ssyncset.done $0x0  }
0xcf: {  	[sflag:s20] =	ssyncadd.s32 $0xFFFFF000  }
0xd0: {  	_ =	swait.ge [sflag:s20], $0x1000  }
0xd1: {  	s21 =	sadd.s32 $0x1, s21;
	s31 =	rddreg [dreg:$0x10]  }
0xd2: {  	p0 =	sne.s32 s21, s31  }
.Ltmp3:
0xd3: {  	_ = 	snop;
	(pc) =	sbr.rel @p0 .LBB2_1-.Ltmp3, $3  }
0xd4: {  	_ =	sdelay $0x1  }
0xd5: {  	[sflag:s20] =	ssyncset.done $0x0  }
0xd6: {  	[sflag:s20] =	ssyncadd.s32 $0xFFFFF000  }
0xd7: {  	_ =	sfence.sel $0x180000  }
0xd8: {  	[bflag:$0x0] =	sbarrier.arrive $0xFFFF  }
0xd9: {  	_ =	strace $0x90000047  }
0xda: {  	s0 =	stileid.u32;
	[bflag:$0x2] =	sbarrier.arrive $0xFFFF  }
0xdb: {  	p0 =	sne.s32 s0, $0x0;
	s0 =	rddreg [dreg:$0x3]  }
0xdc: {  	s0 =	sadd.s32 @!p0 $0x100000, s0  }
0xdd: {  	[sflag:s0] =	ssyncadd.tile.s32 @!p0 $0x1;
	_ =	shalt  }
.Lfunc_end2:
_tile_overlayer_lowered:
.L_overlay_start_2:
0xde: {  	(tag) =	ssettag $0x2  }
0xdf: {  	s0 =	rddreg [dreg:$0x0];
	s2 =	stileid.u32  }
0xe0: {  	s1 =	rddreg [dreg:$0x1];
	p0 =	sne.s32 s2, $0x0  }
0xe1: {  	s3 =	rddreg [dreg:$0x2];
	[bflag:$0x3] =	sbarrier.arrive $0xFFFF;
	s2 =	simm.s32 @!p0 $0x1C05  }
0xe2: {  	[timem:s3], [sflag:s2] =	dma.local @!p0 [hbm:s0], s1  }
0xe3: {  	s0 =	simm.s32 @!p0 $0x5  }
0xe4: {  	_ =	swait.ge @!p0 [sflag:s0], s1  }
0xe5: {  	s1 =	ssub.s32 @!p0 $0x0, s1;
	[sflag:s0] =	ssyncset.done @!p0 $0x0  }
0xe6: {  	[sflag:s0] =	ssyncadd.s32 @!p0 s1  }
0xe7: {  	[bflag:$0x3] =	sbarrier.arrive $0xFFFF  }
0xe8: {  	_ =	shalt  }

</sc_bundles>
